<compile_context>
chip_gen: v7x
topology: tpu7x:2x2x1
jax: 0.10.2.dev20260603
libtpu: 0.0.44.dev20260713+nightly
codegen_flags: <defaults>
</compile_context>

<pallas_src>
import functools

import jax
import jax.numpy as jnp
from jax import lax
from jax.experimental import pallas as pl
from jax.experimental.pallas import tpu as pltpu
from jax.experimental.pallas import tpu_sc as plsc

VOCAB = 100000
DIM = 128
BATCH = 4096
HIST = 50

NC = 2
NS = 16
NW = NC * NS

PER_B = BATCH // NW
NBUF = 5
NGROUP = HIST // NBUF


GLEAD = 3
SLAG = NBUF - GLEAD


def _emb_body(idx_hbm, table_hbm, out_hbm, idx_v, rows_v, gsem, ssem):
    wid = lax.axis_index("s") * NC + lax.axis_index("c")
    b0 = pl.multiple_of(wid * PER_B, PER_B)
    pltpu.sync_copy(idx_hbm.at[:, pl.ds(b0, PER_B)], idx_v)

    def start_gather(h, b):
        pltpu.async_copy(table_hbm.at[idx_v.at[h]], rows_v.at[b], gsem.at[b])

    def wait_gather(h, b):
        pltpu.make_async_copy(
            table_hbm.at[idx_v.at[h]], rows_v.at[b], gsem.at[b]
        ).wait()

    def start_store(h, b):
        pltpu.async_copy(rows_v.at[b], out_hbm.at[h, pl.ds(b0, PER_B)], ssem.at[b])

    def wait_store(h, b):
        pltpu.make_async_copy(
            rows_v.at[b], out_hbm.at[h, pl.ds(b0, PER_B)], ssem.at[b]
        ).wait()

    for h in range(GLEAD):
        start_gather(h, h)

    def step(h, b):
        wait_gather(h, b)
        start_store(h, b)
        b2 = (b + GLEAD) % NBUF
        if isinstance(h, int) and h < SLAG:
            pass
        else:
            wait_store(h - SLAG, b2)
        if not (isinstance(h, int) and h + GLEAD >= HIST):
            start_gather(h + GLEAD, b2)

    for b in range(NBUF):
        step(b, b)

    def turn(g, carry):
        for b in range(NBUF):
            step(g * NBUF + b, b)
        return carry

    lax.fori_loop(1, NGROUP - 1, turn, 0, unroll=False)

    for b in range(NBUF):
        h = (NGROUP - 1) * NBUF + b
        wait_gather(h, b)
        start_store(h, b)
        if h + GLEAD < HIST:
            b2 = (b + GLEAD) % NBUF
            wait_store(h - SLAG, b2)
            start_gather(h + GLEAD, b2)

    for b in range(NBUF):
        h = HIST - NBUF + b
        wait_store(h, b)


_mesh = plsc.VectorSubcoreMesh(core_axis_name="c", subcore_axis_name="s")

_emb = functools.partial(
    pl.kernel,
    mesh=_mesh,
    out_type=jax.ShapeDtypeStruct((HIST, BATCH, DIM), jnp.float32),
    scratch_types=[
        pltpu.VMEM((HIST, PER_B), jnp.int32),
        pltpu.VMEM((NBUF, PER_B, DIM), jnp.float32),
        pltpu.SemaphoreType.DMA((NBUF,)),
        pltpu.SemaphoreType.DMA((NBUF,)),
    ],
)(_emb_body)


def kernel(indices, table):
    idx_t = jnp.transpose(indices.astype(jnp.int32))
    out = _emb(idx_t, table)
    return jnp.transpose(out, (1, 0, 2))

# --- scband reference (transcript-rebuilt; emitter-appended) ---
"""Pipeline reference for scband-emb-2516850835774 (READ-ONLY COPY).

The authoritative reference and input builder live on the scoring server;
editing this copy changes nothing except your own understanding.
"""

import jax, jax.numpy as jnp
import numpy as np

VOCAB = 100000
DIM = 128
BATCH = 4096
HIST = 50

def setup_inputs(seed: int = 0) -> dict:
    key = jax.random.key(seed)
    k1, k2 = jax.random.split(key)
    indices = jax.random.randint(k1, (BATCH, HIST), 0, VOCAB, dtype=jnp.int64 if jax.config.read('jax_enable_x64') else jnp.int32)
    table = jax.random.normal(k2, (VOCAB, DIM), dtype=jnp.float32)
    return {"indices": indices, "table": table}

def reference(indices, table):
    # Faithful to Emb.Emb(): ids are padded to max_len then passed through
    # nn.Embedding -> a plain row gather from the embedding table.
    return jnp.take(table, indices, axis=0)

if __name__ == "__main__":
    import jax
    _d = setup_inputs()
    print(jax.jit(kernel)(*tuple(_d.values())))

</pallas_src>

<mosaic_0001>
#map = affine_map<(d0, d1) -> (0, 0)>
#map1 = affine_map<(d0, d1) -> (0, 0, 0)>
module attributes {stable_mosaic.version = 14 : i64} {
  func.func @_emb_body(%arg0: i32, %arg1: i32, %arg2: memref<50x4096xi32, #tpu.memory_space<hbm>>, %arg3: memref<100000x128xf32, #tpu.memory_space<hbm>>, %arg4: memref<50x4096x128xf32, #tpu.memory_space<hbm>>, %arg5: memref<50x128xi32, #tpu.memory_space<vmem>>, %arg6: memref<5x128x128xf32, #tpu.memory_space<vmem>>, %arg7: memref<5x!tpu.dma_semaphore, #tpu.memory_space<semaphore_mem>>, %arg8: memref<5x!tpu.dma_semaphore, #tpu.memory_space<semaphore_mem>>) attributes {dimension_semantics = [#tpu.dimension_semantics<core_parallel>, #tpu.dimension_semantics<subcore_parallel>], iteration_bounds = array<i64: 2, 16>, scalar_prefetch = 0 : i64, scratch_operands = 4 : i64, tpu.core_type = #tpu.core_type<sc_vector_subcore>, window_params = [{transform_indices = #map}, {transform_indices = #map}, {transform_indices = #map1}]} {
    %mul3A = arith.constant 2 : i32
    %mul3A_0 = arith.muli %arg1, %mul3A : i32
    %add3A = arith.addi %mul3A_0, %arg0 : i32
    %mul3A_1 = arith.constant 128 : i32
    %mul3A_2 = arith.muli %add3A, %mul3A_1 : i32
    %multiple_of3A = tpu.assume_multiple %mul3A_2, 128 : i32
    "tpu.region"() ({
      %run_scoped3A = tpu.sem_alloc : memref<!tpu.dma_semaphore, #tpu.memory_space<semaphore_mem>>
      %dma_start3A_686 = arith.constant 0 : i32
      %dma_start3A_687 = tpu.memref_slice %arg2[%dma_start3A_686, %multiple_of3A] : memref<50x4096xi32, #tpu.memory_space<hbm>> -> memref<50x128xi32, #tpu.memory_space<hbm>>
      %dma_start3A_688 = arith.constant 0 : i32
      %dma_start3A_689 = tpu.memref_slice %arg2[%dma_start3A_688, %multiple_of3A] : memref<50x4096xi32, #tpu.memory_space<hbm>> -> memref<50x128xi32, #tpu.memory_space<hbm>>
      tpu.enqueue_dma source(%dma_start3A_689 : memref<50x128xi32, #tpu.memory_space<hbm>>) target(%arg5 : memref<50x128xi32, #tpu.memory_space<vmem>>) target_semaphore(%run_scoped3A : memref<!tpu.dma_semaphore, #tpu.memory_space<semaphore_mem>>)
      %dma_wait3A_690 = arith.constant 0 : i32
      %dma_wait3A_691 = tpu.memref_slice %arg2[%dma_wait3A_690, %multiple_of3A] : memref<50x4096xi32, #tpu.memory_space<hbm>> -> memref<50x128xi32, #tpu.memory_space<hbm>>
      %dma_wait3A_692 = arith.constant 0 : i32
      %dma_wait3A_693 = tpu.memref_slice %arg2[%dma_wait3A_692, %multiple_of3A] : memref<50x4096xi32, #tpu.memory_space<hbm>> -> memref<50x128xi32, #tpu.memory_space<hbm>>
      tpu.wait_dma2 semaphore(%run_scoped3A : memref<!tpu.dma_semaphore, #tpu.memory_space<semaphore_mem>>) src(%dma_wait3A_693 : memref<50x128xi32, #tpu.memory_space<hbm>>) dst(%arg5 : memref<50x128xi32, #tpu.memory_space<vmem>>)
      tpu.yield
    }) : () -> ()
    %dma_start3A = arith.constant 0 : i32
    %dma_start3A_3 = arith.constant 0 : i32
    %dma_start3A_4 = arith.constant 0 : i32
    %dma_start3A_5 = arith.constant 0 : i32
    %dma_start3A_6 = arith.constant 0 : i32
    %dma_start3A_7 = tpu.memref_slice %arg6[%dma_start3A_3, %dma_start3A_5, %dma_start3A_6] : memref<5x128x128xf32, #tpu.memory_space<vmem>> -> memref<1x128x128xf32, #tpu.memory_space<vmem>>
    %dma_start3A_8 = tpu.memref_squeeze %dma_start3A_7 : memref<1x128x128xf32, #tpu.memory_space<vmem>> -> memref<128x128xf32, #tpu.memory_space<vmem>>
    %dma_start3A_9 = arith.constant 0 : i32
    %dma_start3A_10 = tpu.memref_slice %arg5[%dma_start3A, %dma_start3A_9] : memref<50x128xi32, #tpu.memory_space<vmem>> -> memref<1x128xi32, #tpu.memory_space<vmem>>
    %dma_start3A_11 = tpu.memref_squeeze %dma_start3A_10 : memref<1x128xi32, #tpu.memory_space<vmem>> -> memref<128xi32, #tpu.memory_space<vmem>>
    %dma_start3A_12 = arith.constant 0 : i32
    %dma_start3A_13 = arith.constant 0 : i32
    %dma_start3A_14 = tpu.memref_slice %arg3[%dma_start3A_12, %dma_start3A_13] : memref<100000x128xf32, #tpu.memory_space<hbm>> -> memref<100000x128xf32, #tpu.memory_space<hbm>>
    %dma_start3A_15 = tpu.memref_slice %arg7[%dma_start3A_4] : memref<5x!tpu.dma_semaphore, #tpu.memory_space<semaphore_mem>> -> memref<1x!tpu.dma_semaphore, #tpu.memory_space<semaphore_mem>>
    %dma_start3A_16 = tpu.memref_squeeze %dma_start3A_15 : memref<1x!tpu.dma_semaphore, #tpu.memory_space<semaphore_mem>> -> memref<!tpu.dma_semaphore, #tpu.memory_space<semaphore_mem>>
    tpu.enqueue_indirect_dma source(%dma_start3A_14 : memref<100000x128xf32, #tpu.memory_space<hbm>>) target(%dma_start3A_8 : memref<128x128xf32, #tpu.memory_space<vmem>>) offsets(%dma_start3A_11 : memref<128xi32, #tpu.memory_space<vmem>>) semaphore(%dma_start3A_16 : memref<!tpu.dma_semaphore, #tpu.memory_space<semaphore_mem>>)
    %dma_start3A_17 = arith.constant 1 : i32
    %dma_start3A_18 = arith.constant 1 : i32
    %dma_start3A_19 = arith.constant 1 : i32
    %dma_start3A_20 = arith.constant 0 : i32
    %dma_start3A_21 = arith.constant 0 : i32
    %dma_start3A_22 = tpu.memref_slice %arg6[%dma_start3A_18, %dma_start3A_20, %dma_start3A_21] : memref<5x128x128xf32, #tpu.memory_space<vmem>> -> memref<1x128x128xf32, #tpu.memory_space<vmem>>
    %dma_start3A_23 = tpu.memref_squeeze %dma_start3A_22 : memref<1x128x128xf32, #tpu.memory_space<vmem>> -> memref<128x128xf32, #tpu.memory_space<vmem>>
    %dma_start3A_24 = arith.constant 0 : i32
    %dma_start3A_25 = tpu.memref_slice %arg5[%dma_start3A_17, %dma_start3A_24] : memref<50x128xi32, #tpu.memory_space<vmem>> -> memref<1x128xi32, #tpu.memory_space<vmem>>
    %dma_start3A_26 = tpu.memref_squeeze %dma_start3A_25 : memref<1x128xi32, #tpu.memory_space<vmem>> -> memref<128xi32, #tpu.memory_space<vmem>>
    %dma_start3A_27 = arith.constant 0 : i32
    %dma_start3A_28 = arith.constant 0 : i32
    %dma_start3A_29 = tpu.memref_slice %arg3[%dma_start3A_27, %dma_start3A_28] : memref<100000x128xf32, #tpu.memory_space<hbm>> -> memref<100000x128xf32, #tpu.memory_space<hbm>>
    %dma_start3A_30 = tpu.memref_slice %arg7[%dma_start3A_19] : memref<5x!tpu.dma_semaphore, #tpu.memory_space<semaphore_mem>> -> memref<1x!tpu.dma_semaphore, #tpu.memory_space<semaphore_mem>>
    %dma_start3A_31 = tpu.memref_squeeze %dma_start3A_30 : memref<1x!tpu.dma_semaphore, #tpu.memory_space<semaphore_mem>> -> memref<!tpu.dma_semaphore, #tpu.memory_space<semaphore_mem>>
    tpu.enqueue_indirect_dma source(%dma_start3A_29 : memref<100000x128xf32, #tpu.memory_space<hbm>>) target(%dma_start3A_23 : memref<128x128xf32, #tpu.memory_space<vmem>>) offsets(%dma_start3A_26 : memref<128xi32, #tpu.memory_space<vmem>>) semaphore(%dma_start3A_31 : memref<!tpu.dma_semaphore, #tpu.memory_space<semaphore_mem>>)
    %dma_start3A_32 = arith.constant 2 : i32
    %dma_start3A_33 = arith.constant 2 : i32
    %dma_start3A_34 = arith.constant 2 : i32
    %dma_start3A_35 = arith.constant 0 : i32
    %dma_start3A_36 = arith.constant 0 : i32
    %dma_start3A_37 = tpu.memref_slice %arg6[%dma_start3A_33, %dma_start3A_35, %dma_start3A_36] : memref<5x128x128xf32, #tpu.memory_space<vmem>> -> memref<1x128x128xf32, #tpu.memory_space<vmem>>
    %dma_start3A_38 = tpu.memref_squeeze %dma_start3A_37 : memref<1x128x128xf32, #tpu.memory_space<vmem>> -> memref<128x128xf32, #tpu.memory_space<vmem>>
    %dma_start3A_39 = arith.constant 0 : i32
    %dma_start3A_40 = tpu.memref_slice %arg5[%dma_start3A_32, %dma_start3A_39] : memref<50x128xi32, #tpu.memory_space<vmem>> -> memref<1x128xi32, #tpu.memory_space<vmem>>
    %dma_start3A_41 = tpu.memref_squeeze %dma_start3A_40 : memref<1x128xi32, #tpu.memory_space<vmem>> -> memref<128xi32, #tpu.memory_space<vmem>>
    %dma_start3A_42 = arith.constant 0 : i32
    %dma_start3A_43 = arith.constant 0 : i32
    %dma_start3A_44 = tpu.memref_slice %arg3[%dma_start3A_42, %dma_start3A_43] : memref<100000x128xf32, #tpu.memory_space<hbm>> -> memref<100000x128xf32, #tpu.memory_space<hbm>>
    %dma_start3A_45 = tpu.memref_slice %arg7[%dma_start3A_34] : memref<5x!tpu.dma_semaphore, #tpu.memory_space<semaphore_mem>> -> memref<1x!tpu.dma_semaphore, #tpu.memory_space<semaphore_mem>>
    %dma_start3A_46 = tpu.memref_squeeze %dma_start3A_45 : memref<1x!tpu.dma_semaphore, #tpu.memory_space<semaphore_mem>> -> memref<!tpu.dma_semaphore, #tpu.memory_space<semaphore_mem>>
    tpu.enqueue_indirect_dma source(%dma_start3A_44 : memref<100000x128xf32, #tpu.memory_space<hbm>>) target(%dma_start3A_38 : memref<128x128xf32, #tpu.memory_space<vmem>>) offsets(%dma_start3A_41 : memref<128xi32, #tpu.memory_space<vmem>>) semaphore(%dma_start3A_46 : memref<!tpu.dma_semaphore, #tpu.memory_space<semaphore_mem>>)
    %dma_wait3A = arith.constant 0 : i32
    %dma_wait3A_47 = arith.constant 0 : i32
    %dma_wait3A_48 = arith.constant 0 : i32
    %dma_wait3A_49 = arith.constant 0 : i32
    %dma_wait3A_50 = arith.constant 0 : i32
    %dma_wait3A_51 = tpu.memref_slice %arg6[%dma_wait3A_47, %dma_wait3A_49, %dma_wait3A_50] : memref<5x128x128xf32, #tpu.memory_space<vmem>> -> memref<1x128x128xf32, #tpu.memory_space<vmem>>
    %dma_wait3A_52 = tpu.memref_squeeze %dma_wait3A_51 : memref<1x128x128xf32, #tpu.memory_space<vmem>> -> memref<128x128xf32, #tpu.memory_space<vmem>>
    %dma_wait3A_53 = arith.constant 0 : i32
    %dma_wait3A_54 = tpu.memref_slice %arg5[%dma_wait3A, %dma_wait3A_53] : memref<50x128xi32, #tpu.memory_space<vmem>> -> memref<1x128xi32, #tpu.memory_space<vmem>>
    %dma_wait3A_55 = tpu.memref_squeeze %dma_wait3A_54 : memref<1x128xi32, #tpu.memory_space<vmem>> -> memref<128xi32, #tpu.memory_space<vmem>>
    %dma_wait3A_56 = arith.constant 0 : i32
    %dma_wait3A_57 = arith.constant 0 : i32
    %dma_wait3A_58 = tpu.memref_slice %arg3[%dma_wait3A_56, %dma_wait3A_57] : memref<100000x128xf32, #tpu.memory_space<hbm>> -> memref<100000x128xf32, #tpu.memory_space<hbm>>
    %dma_wait3A_59 = tpu.memref_slice %arg7[%dma_wait3A_48] : memref<5x!tpu.dma_semaphore, #tpu.memory_space<semaphore_mem>> -> memref<1x!tpu.dma_semaphore, #tpu.memory_space<semaphore_mem>>
    %dma_wait3A_60 = tpu.memref_squeeze %dma_wait3A_59 : memref<1x!tpu.dma_semaphore, #tpu.memory_space<semaphore_mem>> -> memref<!tpu.dma_semaphore, #tpu.memory_space<semaphore_mem>>
    tpu.wait_indirect_dma semaphore(%dma_wait3A_60 : memref<!tpu.dma_semaphore, #tpu.memory_space<semaphore_mem>>) src(%dma_wait3A_58 : memref<100000x128xf32, #tpu.memory_space<hbm>>) dst(%dma_wait3A_52 : memref<128x128xf32, #tpu.memory_space<vmem>>)
    %dma_start3A_61 = arith.constant 0 : i32
    %dma_start3A_62 = arith.constant 0 : i32
    %dma_start3A_63 = arith.constant 0 : i32
    %dma_start3A_64 = arith.constant 0 : i32
    %dma_start3A_65 = arith.constant 0 : i32
    %dma_start3A_66 = tpu.memref_slice %arg6[%dma_start3A_61, %dma_start3A_64, %dma_start3A_65] : memref<5x128x128xf32, #tpu.memory_space<vmem>> -> memref<1x128x128xf32, #tpu.memory_space<vmem>>
    %dma_start3A_67 = tpu.memref_squeeze %dma_start3A_66 : memref<1x128x128xf32, #tpu.memory_space<vmem>> -> memref<128x128xf32, #tpu.memory_space<vmem>>
    %dma_start3A_68 = arith.constant 0 : i32
    %dma_start3A_69 = tpu.memref_slice %arg4[%dma_start3A_62, %multiple_of3A, %dma_start3A_68] : memref<50x4096x128xf32, #tpu.memory_space<hbm>> -> memref<1x128x128xf32, #tpu.memory_space<hbm>>
    %dma_start3A_70 = tpu.memref_squeeze %dma_start3A_69 : memref<1x128x128xf32, #tpu.memory_space<hbm>> -> memref<128x128xf32, #tpu.memory_space<hbm>>
    %dma_start3A_71 = tpu.memref_slice %arg8[%dma_start3A_63] : memref<5x!tpu.dma_semaphore, #tpu.memory_space<semaphore_mem>> -> memref<1x!tpu.dma_semaphore, #tpu.memory_space<semaphore_mem>>
    %dma_start3A_72 = tpu.memref_squeeze %dma_start3A_71 : memref<1x!tpu.dma_semaphore, #tpu.memory_space<semaphore_mem>> -> memref<!tpu.dma_semaphore, #tpu.memory_space<semaphore_mem>>
    %dma_start3A_73 = arith.constant 0 : i32
    %dma_start3A_74 = tpu.memref_slice %arg4[%dma_start3A_62, %multiple_of3A, %dma_start3A_73] : memref<50x4096x128xf32, #tpu.memory_space<hbm>> -> memref<1x128x128xf32, #tpu.memory_space<hbm>>
    %dma_start3A_75 = tpu.memref_squeeze %dma_start3A_74 : memref<1x128x128xf32, #tpu.memory_space<hbm>> -> memref<128x128xf32, #tpu.memory_space<hbm>>
    %dma_start3A_76 = arith.constant 0 : i32
    %dma_start3A_77 = arith.constant 0 : i32
    %dma_start3A_78 = tpu.memref_slice %arg6[%dma_start3A_61, %dma_start3A_76, %dma_start3A_77] : memref<5x128x128xf32, #tpu.memory_space<vmem>> -> memref<1x128x128xf32, #tpu.memory_space<vmem>>
    %dma_start3A_79 = tpu.memref_squeeze %dma_start3A_78 : memref<1x128x128xf32, #tpu.memory_space<vmem>> -> memref<128x128xf32, #tpu.memory_space<vmem>>
    tpu.enqueue_dma source(%dma_start3A_79 : memref<128x128xf32, #tpu.memory_space<vmem>>) target(%dma_start3A_75 : memref<128x128xf32, #tpu.memory_space<hbm>>) target_semaphore(%dma_start3A_72 : memref<!tpu.dma_semaphore, #tpu.memory_space<semaphore_mem>>)
    %dma_start3A_80 = arith.constant 3 : i32
    %dma_start3A_81 = arith.constant 3 : i32
    %dma_start3A_82 = arith.constant 3 : i32
    %dma_start3A_83 = arith.constant 0 : i32
    %dma_start3A_84 = arith.constant 0 : i32
    %dma_start3A_85 = tpu.memref_slice %arg6[%dma_start3A_81, %dma_start3A_83, %dma_start3A_84] : memref<5x128x128xf32, #tpu.memory_space<vmem>> -> memref<1x128x128xf32, #tpu.memory_space<vmem>>
    %dma_start3A_86 = tpu.memref_squeeze %dma_start3A_85 : memref<1x128x128xf32, #tpu.memory_space<vmem>> -> memref<128x128xf32, #tpu.memory_space<vmem>>
    %dma_start3A_87 = arith.constant 0 : i32
    %dma_start3A_88 = tpu.memref_slice %arg5[%dma_start3A_80, %dma_start3A_87] : memref<50x128xi32, #tpu.memory_space<vmem>> -> memref<1x128xi32, #tpu.memory_space<vmem>>
    %dma_start3A_89 = tpu.memref_squeeze %dma_start3A_88 : memref<1x128xi32, #tpu.memory_space<vmem>> -> memref<128xi32, #tpu.memory_space<vmem>>
    %dma_start3A_90 = arith.constant 0 : i32
    %dma_start3A_91 = arith.constant 0 : i32
    %dma_start3A_92 = tpu.memref_slice %arg3[%dma_start3A_90, %dma_start3A_91] : memref<100000x128xf32, #tpu.memory_space<hbm>> -> memref<100000x128xf32, #tpu.memory_space<hbm>>
    %dma_start3A_93 = tpu.memref_slice %arg7[%dma_start3A_82] : memref<5x!tpu.dma_semaphore, #tpu.memory_space<semaphore_mem>> -> memref<1x!tpu.dma_semaphore, #tpu.memory_space<semaphore_mem>>
    %dma_start3A_94 = tpu.memref_squeeze %dma_start3A_93 : memref<1x!tpu.dma_semaphore, #tpu.memory_space<semaphore_mem>> -> memref<!tpu.dma_semaphore, #tpu.memory_space<semaphore_mem>>
    tpu.enqueue_indirect_dma source(%dma_start3A_92 : memref<100000x128xf32, #tpu.memory_space<hbm>>) target(%dma_start3A_86 : memref<128x128xf32, #tpu.memory_space<vmem>>) offsets(%dma_start3A_89 : memref<128xi32, #tpu.memory_space<vmem>>) semaphore(%dma_start3A_94 : memref<!tpu.dma_semaphore, #tpu.memory_space<semaphore_mem>>)
    %dma_wait3A_95 = arith.constant 1 : i32
    %dma_wait3A_96 = arith.constant 1 : i32
    %dma_wait3A_97 = arith.constant 1 : i32
    %dma_wait3A_98 = arith.constant 0 : i32
    %dma_wait3A_99 = arith.constant 0 : i32
    %dma_wait3A_100 = tpu.memref_slice %arg6[%dma_wait3A_96, %dma_wait3A_98, %dma_wait3A_99] : memref<5x128x128xf32, #tpu.memory_space<vmem>> -> memref<1x128x128xf32, #tpu.memory_space<vmem>>
    %dma_wait3A_101 = tpu.memref_squeeze %dma_wait3A_100 : memref<1x128x128xf32, #tpu.memory_space<vmem>> -> memref<128x128xf32, #tpu.memory_space<vmem>>
    %dma_wait3A_102 = arith.constant 0 : i32
    %dma_wait3A_103 = tpu.memref_slice %arg5[%dma_wait3A_95, %dma_wait3A_102] : memref<50x128xi32, #tpu.memory_space<vmem>> -> memref<1x128xi32, #tpu.memory_space<vmem>>
    %dma_wait3A_104 = tpu.memref_squeeze %dma_wait3A_103 : memref<1x128xi32, #tpu.memory_space<vmem>> -> memref<128xi32, #tpu.memory_space<vmem>>
    %dma_wait3A_105 = arith.constant 0 : i32
    %dma_wait3A_106 = arith.constant 0 : i32
    %dma_wait3A_107 = tpu.memref_slice %arg3[%dma_wait3A_105, %dma_wait3A_106] : memref<100000x128xf32, #tpu.memory_space<hbm>> -> memref<100000x128xf32, #tpu.memory_space<hbm>>
    %dma_wait3A_108 = tpu.memref_slice %arg7[%dma_wait3A_97] : memref<5x!tpu.dma_semaphore, #tpu.memory_space<semaphore_mem>> -> memref<1x!tpu.dma_semaphore, #tpu.memory_space<semaphore_mem>>
    %dma_wait3A_109 = tpu.memref_squeeze %dma_wait3A_108 : memref<1x!tpu.dma_semaphore, #tpu.memory_space<semaphore_mem>> -> memref<!tpu.dma_semaphore, #tpu.memory_space<semaphore_mem>>
    tpu.wait_indirect_dma semaphore(%dma_wait3A_109 : memref<!tpu.dma_semaphore, #tpu.memory_space<semaphore_mem>>) src(%dma_wait3A_107 : memref<100000x128xf32, #tpu.memory_space<hbm>>) dst(%dma_wait3A_101 : memref<128x128xf32, #tpu.memory_space<vmem>>)
    %dma_start3A_110 = arith.constant 1 : i32
    %dma_start3A_111 = arith.constant 1 : i32
    %dma_start3A_112 = arith.constant 1 : i32
    %dma_start3A_113 = arith.constant 0 : i32
    %dma_start3A_114 = arith.constant 0 : i32
    %dma_start3A_115 = tpu.memref_slice %arg6[%dma_start3A_110, %dma_start3A_113, %dma_start3A_114] : memref<5x128x128xf32, #tpu.memory_space<vmem>> -> memref<1x128x128xf32, #tpu.memory_space<vmem>>
    %dma_start3A_116 = tpu.memref_squeeze %dma_start3A_115 : memref<1x128x128xf32, #tpu.memory_space<vmem>> -> memref<128x128xf32, #tpu.memory_space<vmem>>
    %dma_start3A_117 = arith.constant 0 : i32
    %dma_start3A_118 = tpu.memref_slice %arg4[%dma_start3A_111, %multiple_of3A, %dma_start3A_117] : memref<50x4096x128xf32, #tpu.memory_space<hbm>> -> memref<1x128x128xf32, #tpu.memory_space<hbm>>
    %dma_start3A_119 = tpu.memref_squeeze %dma_start3A_118 : memref<1x128x128xf32, #tpu.memory_space<hbm>> -> memref<128x128xf32, #tpu.memory_space<hbm>>
    %dma_start3A_120 = tpu.memref_slice %arg8[%dma_start3A_112] : memref<5x!tpu.dma_semaphore, #tpu.memory_space<semaphore_mem>> -> memref<1x!tpu.dma_semaphore, #tpu.memory_space<semaphore_mem>>
    %dma_start3A_121 = tpu.memref_squeeze %dma_start3A_120 : memref<1x!tpu.dma_semaphore, #tpu.memory_space<semaphore_mem>> -> memref<!tpu.dma_semaphore, #tpu.memory_space<semaphore_mem>>
    %dma_start3A_122 = arith.constant 0 : i32
    %dma_start3A_123 = tpu.memref_slice %arg4[%dma_start3A_111, %multiple_of3A, %dma_start3A_122] : memref<50x4096x128xf32, #tpu.memory_space<hbm>> -> memref<1x128x128xf32, #tpu.memory_space<hbm>>
    %dma_start3A_124 = tpu.memref_squeeze %dma_start3A_123 : memref<1x128x128xf32, #tpu.memory_space<hbm>> -> memref<128x128xf32, #tpu.memory_space<hbm>>
    %dma_start3A_125 = arith.constant 0 : i32
    %dma_start3A_126 = arith.constant 0 : i32
    %dma_start3A_127 = tpu.memref_slice %arg6[%dma_start3A_110, %dma_start3A_125, %dma_start3A_126] : memref<5x128x128xf32, #tpu.memory_space<vmem>> -> memref<1x128x128xf32, #tpu.memory_space<vmem>>
    %dma_start3A_128 = tpu.memref_squeeze %dma_start3A_127 : memref<1x128x128xf32, #tpu.memory_space<vmem>> -> memref<128x128xf32, #tpu.memory_space<vmem>>
    tpu.enqueue_dma source(%dma_start3A_128 : memref<128x128xf32, #tpu.memory_space<vmem>>) target(%dma_start3A_124 : memref<128x128xf32, #tpu.memory_space<hbm>>) target_semaphore(%dma_start3A_121 : memref<!tpu.dma_semaphore, #tpu.memory_space<semaphore_mem>>)
    %dma_start3A_129 = arith.constant 4 : i32
    %dma_start3A_130 = arith.constant 4 : i32
    %dma_start3A_131 = arith.constant 4 : i32
    %dma_start3A_132 = arith.constant 0 : i32
    %dma_start3A_133 = arith.constant 0 : i32
    %dma_start3A_134 = tpu.memref_slice %arg6[%dma_start3A_130, %dma_start3A_132, %dma_start3A_133] : memref<5x128x128xf32, #tpu.memory_space<vmem>> -> memref<1x128x128xf32, #tpu.memory_space<vmem>>
    %dma_start3A_135 = tpu.memref_squeeze %dma_start3A_134 : memref<1x128x128xf32, #tpu.memory_space<vmem>> -> memref<128x128xf32, #tpu.memory_space<vmem>>
    %dma_start3A_136 = arith.constant 0 : i32
    %dma_start3A_137 = tpu.memref_slice %arg5[%dma_start3A_129, %dma_start3A_136] : memref<50x128xi32, #tpu.memory_space<vmem>> -> memref<1x128xi32, #tpu.memory_space<vmem>>
    %dma_start3A_138 = tpu.memref_squeeze %dma_start3A_137 : memref<1x128xi32, #tpu.memory_space<vmem>> -> memref<128xi32, #tpu.memory_space<vmem>>
    %dma_start3A_139 = arith.constant 0 : i32
    %dma_start3A_140 = arith.constant 0 : i32
    %dma_start3A_141 = tpu.memref_slice %arg3[%dma_start3A_139, %dma_start3A_140] : memref<100000x128xf32, #tpu.memory_space<hbm>> -> memref<100000x128xf32, #tpu.memory_space<hbm>>
    %dma_start3A_142 = tpu.memref_slice %arg7[%dma_start3A_131] : memref<5x!tpu.dma_semaphore, #tpu.memory_space<semaphore_mem>> -> memref<1x!tpu.dma_semaphore, #tpu.memory_space<semaphore_mem>>
    %dma_start3A_143 = tpu.memref_squeeze %dma_start3A_142 : memref<1x!tpu.dma_semaphore, #tpu.memory_space<semaphore_mem>> -> memref<!tpu.dma_semaphore, #tpu.memory_space<semaphore_mem>>
    tpu.enqueue_indirect_dma source(%dma_start3A_141 : memref<100000x128xf32, #tpu.memory_space<hbm>>) target(%dma_start3A_135 : memref<128x128xf32, #tpu.memory_space<vmem>>) offsets(%dma_start3A_138 : memref<128xi32, #tpu.memory_space<vmem>>) semaphore(%dma_start3A_143 : memref<!tpu.dma_semaphore, #tpu.memory_space<semaphore_mem>>)
    %dma_wait3A_144 = arith.constant 2 : i32
    %dma_wait3A_145 = arith.constant 2 : i32
    %dma_wait3A_146 = arith.constant 2 : i32
    %dma_wait3A_147 = arith.constant 0 : i32
    %dma_wait3A_148 = arith.constant 0 : i32
    %dma_wait3A_149 = tpu.memref_slice %arg6[%dma_wait3A_145, %dma_wait3A_147, %dma_wait3A_148] : memref<5x128x128xf32, #tpu.memory_space<vmem>> -> memref<1x128x128xf32, #tpu.memory_space<vmem>>
    %dma_wait3A_150 = tpu.memref_squeeze %dma_wait3A_149 : memref<1x128x128xf32, #tpu.memory_space<vmem>> -> memref<128x128xf32, #tpu.memory_space<vmem>>
    %dma_wait3A_151 = arith.constant 0 : i32
    %dma_wait3A_152 = tpu.memref_slice %arg5[%dma_wait3A_144, %dma_wait3A_151] : memref<50x128xi32, #tpu.memory_space<vmem>> -> memref<1x128xi32, #tpu.memory_space<vmem>>
    %dma_wait3A_153 = tpu.memref_squeeze %dma_wait3A_152 : memref<1x128xi32, #tpu.memory_space<vmem>> -> memref<128xi32, #tpu.memory_space<vmem>>
    %dma_wait3A_154 = arith.constant 0 : i32
    %dma_wait3A_155 = arith.constant 0 : i32
    %dma_wait3A_156 = tpu.memref_slice %arg3[%dma_wait3A_154, %dma_wait3A_155] : memref<100000x128xf32, #tpu.memory_space<hbm>> -> memref<100000x128xf32, #tpu.memory_space<hbm>>
    %dma_wait3A_157 = tpu.memref_slice %arg7[%dma_wait3A_146] : memref<5x!tpu.dma_semaphore, #tpu.memory_space<semaphore_mem>> -> memref<1x!tpu.dma_semaphore, #tpu.memory_space<semaphore_mem>>
    %dma_wait3A_158 = tpu.memref_squeeze %dma_wait3A_157 : memref<1x!tpu.dma_semaphore, #tpu.memory_space<semaphore_mem>> -> memref<!tpu.dma_semaphore, #tpu.memory_space<semaphore_mem>>
    tpu.wait_indirect_dma semaphore(%dma_wait3A_158 : memref<!tpu.dma_semaphore, #tpu.memory_space<semaphore_mem>>) src(%dma_wait3A_156 : memref<100000x128xf32, #tpu.memory_space<hbm>>) dst(%dma_wait3A_150 : memref<128x128xf32, #tpu.memory_space<vmem>>)
    %dma_start3A_159 = arith.constant 2 : i32
    %dma_start3A_160 = arith.constant 2 : i32
    %dma_start3A_161 = arith.constant 2 : i32
    %dma_start3A_162 = arith.constant 0 : i32
    %dma_start3A_163 = arith.constant 0 : i32
    %dma_start3A_164 = tpu.memref_slice %arg6[%dma_start3A_159, %dma_start3A_162, %dma_start3A_163] : memref<5x128x128xf32, #tpu.memory_space<vmem>> -> memref<1x128x128xf32, #tpu.memory_space<vmem>>
    %dma_start3A_165 = tpu.memref_squeeze %dma_start3A_164 : memref<1x128x128xf32, #tpu.memory_space<vmem>> -> memref<128x128xf32, #tpu.memory_space<vmem>>
    %dma_start3A_166 = arith.constant 0 : i32
    %dma_start3A_167 = tpu.memref_slice %arg4[%dma_start3A_160, %multiple_of3A, %dma_start3A_166] : memref<50x4096x128xf32, #tpu.memory_space<hbm>> -> memref<1x128x128xf32, #tpu.memory_space<hbm>>
    %dma_start3A_168 = tpu.memref_squeeze %dma_start3A_167 : memref<1x128x128xf32, #tpu.memory_space<hbm>> -> memref<128x128xf32, #tpu.memory_space<hbm>>
    %dma_start3A_169 = tpu.memref_slice %arg8[%dma_start3A_161] : memref<5x!tpu.dma_semaphore, #tpu.memory_space<semaphore_mem>> -> memref<1x!tpu.dma_semaphore, #tpu.memory_space<semaphore_mem>>
    %dma_start3A_170 = tpu.memref_squeeze %dma_start3A_169 : memref<1x!tpu.dma_semaphore, #tpu.memory_space<semaphore_mem>> -> memref<!tpu.dma_semaphore, #tpu.memory_space<semaphore_mem>>
    %dma_start3A_171 = arith.constant 0 : i32
    %dma_start3A_172 = tpu.memref_slice %arg4[%dma_start3A_160, %multiple_of3A, %dma_start3A_171] : memref<50x4096x128xf32, #tpu.memory_space<hbm>> -> memref<1x128x128xf32, #tpu.memory_space<hbm>>
    %dma_start3A_173 = tpu.memref_squeeze %dma_start3A_172 : memref<1x128x128xf32, #tpu.memory_space<hbm>> -> memref<128x128xf32, #tpu.memory_space<hbm>>
    %dma_start3A_174 = arith.constant 0 : i32
    %dma_start3A_175 = arith.constant 0 : i32
    %dma_start3A_176 = tpu.memref_slice %arg6[%dma_start3A_159, %dma_start3A_174, %dma_start3A_175] : memref<5x128x128xf32, #tpu.memory_space<vmem>> -> memref<1x128x128xf32, #tpu.memory_space<vmem>>
    %dma_start3A_177 = tpu.memref_squeeze %dma_start3A_176 : memref<1x128x128xf32, #tpu.memory_space<vmem>> -> memref<128x128xf32, #tpu.memory_space<vmem>>
    tpu.enqueue_dma source(%dma_start3A_177 : memref<128x128xf32, #tpu.memory_space<vmem>>) target(%dma_start3A_173 : memref<128x128xf32, #tpu.memory_space<hbm>>) target_semaphore(%dma_start3A_170 : memref<!tpu.dma_semaphore, #tpu.memory_space<semaphore_mem>>)
    %dma_wait3A_178 = arith.constant 0 : i32
    %dma_wait3A_179 = arith.constant 0 : i32
    %dma_wait3A_180 = arith.constant 0 : i32
    %dma_wait3A_181 = arith.constant 0 : i32
    %dma_wait3A_182 = arith.constant 0 : i32
    %dma_wait3A_183 = tpu.memref_slice %arg6[%dma_wait3A_178, %dma_wait3A_181, %dma_wait3A_182] : memref<5x128x128xf32, #tpu.memory_space<vmem>> -> memref<1x128x128xf32, #tpu.memory_space<vmem>>
    %dma_wait3A_184 = tpu.memref_squeeze %dma_wait3A_183 : memref<1x128x128xf32, #tpu.memory_space<vmem>> -> memref<128x128xf32, #tpu.memory_space<vmem>>
    %dma_wait3A_185 = arith.constant 0 : i32
    %dma_wait3A_186 = tpu.memref_slice %arg4[%dma_wait3A_179, %multiple_of3A, %dma_wait3A_185] : memref<50x4096x128xf32, #tpu.memory_space<hbm>> -> memref<1x128x128xf32, #tpu.memory_space<hbm>>
    %dma_wait3A_187 = tpu.memref_squeeze %dma_wait3A_186 : memref<1x128x128xf32, #tpu.memory_space<hbm>> -> memref<128x128xf32, #tpu.memory_space<hbm>>
    %dma_wait3A_188 = tpu.memref_slice %arg8[%dma_wait3A_180] : memref<5x!tpu.dma_semaphore, #tpu.memory_space<semaphore_mem>> -> memref<1x!tpu.dma_semaphore, #tpu.memory_space<semaphore_mem>>
    %dma_wait3A_189 = tpu.memref_squeeze %dma_wait3A_188 : memref<1x!tpu.dma_semaphore, #tpu.memory_space<semaphore_mem>> -> memref<!tpu.dma_semaphore, #tpu.memory_space<semaphore_mem>>
    %dma_wait3A_190 = arith.constant 0 : i32
    %dma_wait3A_191 = tpu.memref_slice %arg4[%dma_wait3A_179, %multiple_of3A, %dma_wait3A_190] : memref<50x4096x128xf32, #tpu.memory_space<hbm>> -> memref<1x128x128xf32, #tpu.memory_space<hbm>>
    %dma_wait3A_192 = tpu.memref_squeeze %dma_wait3A_191 : memref<1x128x128xf32, #tpu.memory_space<hbm>> -> memref<128x128xf32, #tpu.memory_space<hbm>>
    %dma_wait3A_193 = arith.constant 0 : i32
    %dma_wait3A_194 = arith.constant 0 : i32
    %dma_wait3A_195 = tpu.memref_slice %arg6[%dma_wait3A_178, %dma_wait3A_193, %dma_wait3A_194] : memref<5x128x128xf32, #tpu.memory_space<vmem>> -> memref<1x128x128xf32, #tpu.memory_space<vmem>>
    %dma_wait3A_196 = tpu.memref_squeeze %dma_wait3A_195 : memref<1x128x128xf32, #tpu.memory_space<vmem>> -> memref<128x128xf32, #tpu.memory_space<vmem>>
    tpu.wait_dma2 semaphore(%dma_wait3A_189 : memref<!tpu.dma_semaphore, #tpu.memory_space<semaphore_mem>>) src(%dma_wait3A_196 : memref<128x128xf32, #tpu.memory_space<vmem>>) dst(%dma_wait3A_192 : memref<128x128xf32, #tpu.memory_space<hbm>>)
    %dma_start3A_197 = arith.constant 5 : i32
    %dma_start3A_198 = arith.constant 0 : i32
    %dma_start3A_199 = arith.constant 0 : i32
    %dma_start3A_200 = arith.constant 0 : i32
    %dma_start3A_201 = arith.constant 0 : i32
    %dma_start3A_202 = tpu.memref_slice %arg6[%dma_start3A_198, %dma_start3A_200, %dma_start3A_201] : memref<5x128x128xf32, #tpu.memory_space<vmem>> -> memref<1x128x128xf32, #tpu.memory_space<vmem>>
    %dma_start3A_203 = tpu.memref_squeeze %dma_start3A_202 : memref<1x128x128xf32, #tpu.memory_space<vmem>> -> memref<128x128xf32, #tpu.memory_space<vmem>>
    %dma_start3A_204 = arith.constant 0 : i32
    %dma_start3A_205 = tpu.memref_slice %arg5[%dma_start3A_197, %dma_start3A_204] : memref<50x128xi32, #tpu.memory_space<vmem>> -> memref<1x128xi32, #tpu.memory_space<vmem>>
    %dma_start3A_206 = tpu.memref_squeeze %dma_start3A_205 : memref<1x128xi32, #tpu.memory_space<vmem>> -> memref<128xi32, #tpu.memory_space<vmem>>
    %dma_start3A_207 = arith.constant 0 : i32
    %dma_start3A_208 = arith.constant 0 : i32
    %dma_start3A_209 = tpu.memref_slice %arg3[%dma_start3A_207, %dma_start3A_208] : memref<100000x128xf32, #tpu.memory_space<hbm>> -> memref<100000x128xf32, #tpu.memory_space<hbm>>
    %dma_start3A_210 = tpu.memref_slice %arg7[%dma_start3A_199] : memref<5x!tpu.dma_semaphore, #tpu.memory_space<semaphore_mem>> -> memref<1x!tpu.dma_semaphore, #tpu.memory_space<semaphore_mem>>
    %dma_start3A_211 = tpu.memref_squeeze %dma_start3A_210 : memref<1x!tpu.dma_semaphore, #tpu.memory_space<semaphore_mem>> -> memref<!tpu.dma_semaphore, #tpu.memory_space<semaphore_mem>>
    tpu.enqueue_indirect_dma source(%dma_start3A_209 : memref<100000x128xf32, #tpu.memory_space<hbm>>) target(%dma_start3A_203 : memref<128x128xf32, #tpu.memory_space<vmem>>) offsets(%dma_start3A_206 : memref<128xi32, #tpu.memory_space<vmem>>) semaphore(%dma_start3A_211 : memref<!tpu.dma_semaphore, #tpu.memory_space<semaphore_mem>>)
    %dma_wait3A_212 = arith.constant 3 : i32
    %dma_wait3A_213 = arith.constant 3 : i32
    %dma_wait3A_214 = arith.constant 3 : i32
    %dma_wait3A_215 = arith.constant 0 : i32
    %dma_wait3A_216 = arith.constant 0 : i32
    %dma_wait3A_217 = tpu.memref_slice %arg6[%dma_wait3A_213, %dma_wait3A_215, %dma_wait3A_216] : memref<5x128x128xf32, #tpu.memory_space<vmem>> -> memref<1x128x128xf32, #tpu.memory_space<vmem>>
    %dma_wait3A_218 = tpu.memref_squeeze %dma_wait3A_217 : memref<1x128x128xf32, #tpu.memory_space<vmem>> -> memref<128x128xf32, #tpu.memory_space<vmem>>
    %dma_wait3A_219 = arith.constant 0 : i32
    %dma_wait3A_220 = tpu.memref_slice %arg5[%dma_wait3A_212, %dma_wait3A_219] : memref<50x128xi32, #tpu.memory_space<vmem>> -> memref<1x128xi32, #tpu.memory_space<vmem>>
    %dma_wait3A_221 = tpu.memref_squeeze %dma_wait3A_220 : memref<1x128xi32, #tpu.memory_space<vmem>> -> memref<128xi32, #tpu.memory_space<vmem>>
    %dma_wait3A_222 = arith.constant 0 : i32
    %dma_wait3A_223 = arith.constant 0 : i32
    %dma_wait3A_224 = tpu.memref_slice %arg3[%dma_wait3A_222, %dma_wait3A_223] : memref<100000x128xf32, #tpu.memory_space<hbm>> -> memref<100000x128xf32, #tpu.memory_space<hbm>>
    %dma_wait3A_225 = tpu.memref_slice %arg7[%dma_wait3A_214] : memref<5x!tpu.dma_semaphore, #tpu.memory_space<semaphore_mem>> -> memref<1x!tpu.dma_semaphore, #tpu.memory_space<semaphore_mem>>
    %dma_wait3A_226 = tpu.memref_squeeze %dma_wait3A_225 : memref<1x!tpu.dma_semaphore, #tpu.memory_space<semaphore_mem>> -> memref<!tpu.dma_semaphore, #tpu.memory_space<semaphore_mem>>
    tpu.wait_indirect_dma semaphore(%dma_wait3A_226 : memref<!tpu.dma_semaphore, #tpu.memory_space<semaphore_mem>>) src(%dma_wait3A_224 : memref<100000x128xf32, #tpu.memory_space<hbm>>) dst(%dma_wait3A_218 : memref<128x128xf32, #tpu.memory_space<vmem>>)
    %dma_start3A_227 = arith.constant 3 : i32
    %dma_start3A_228 = arith.constant 3 : i32
    %dma_start3A_229 = arith.constant 3 : i32
    %dma_start3A_230 = arith.constant 0 : i32
    %dma_start3A_231 = arith.constant 0 : i32
    %dma_start3A_232 = tpu.memref_slice %arg6[%dma_start3A_227, %dma_start3A_230, %dma_start3A_231] : memref<5x128x128xf32, #tpu.memory_space<vmem>> -> memref<1x128x128xf32, #tpu.memory_space<vmem>>
    %dma_start3A_233 = tpu.memref_squeeze %dma_start3A_232 : memref<1x128x128xf32, #tpu.memory_space<vmem>> -> memref<128x128xf32, #tpu.memory_space<vmem>>
    %dma_start3A_234 = arith.constant 0 : i32
    %dma_start3A_235 = tpu.memref_slice %arg4[%dma_start3A_228, %multiple_of3A, %dma_start3A_234] : memref<50x4096x128xf32, #tpu.memory_space<hbm>> -> memref<1x128x128xf32, #tpu.memory_space<hbm>>
    %dma_start3A_236 = tpu.memref_squeeze %dma_start3A_235 : memref<1x128x128xf32, #tpu.memory_space<hbm>> -> memref<128x128xf32, #tpu.memory_space<hbm>>
    %dma_start3A_237 = tpu.memref_slice %arg8[%dma_start3A_229] : memref<5x!tpu.dma_semaphore, #tpu.memory_space<semaphore_mem>> -> memref<1x!tpu.dma_semaphore, #tpu.memory_space<semaphore_mem>>
    %dma_start3A_238 = tpu.memref_squeeze %dma_start3A_237 : memref<1x!tpu.dma_semaphore, #tpu.memory_space<semaphore_mem>> -> memref<!tpu.dma_semaphore, #tpu.memory_space<semaphore_mem>>
    %dma_start3A_239 = arith.constant 0 : i32
    %dma_start3A_240 = tpu.memref_slice %arg4[%dma_start3A_228, %multiple_of3A, %dma_start3A_239] : memref<50x4096x128xf32, #tpu.memory_space<hbm>> -> memref<1x128x128xf32, #tpu.memory_space<hbm>>
    %dma_start3A_241 = tpu.memref_squeeze %dma_start3A_240 : memref<1x128x128xf32, #tpu.memory_space<hbm>> -> memref<128x128xf32, #tpu.memory_space<hbm>>
    %dma_start3A_242 = arith.constant 0 : i32
    %dma_start3A_243 = arith.constant 0 : i32
    %dma_start3A_244 = tpu.memref_slice %arg6[%dma_start3A_227, %dma_start3A_242, %dma_start3A_243] : memref<5x128x128xf32, #tpu.memory_space<vmem>> -> memref<1x128x128xf32, #tpu.memory_space<vmem>>
    %dma_start3A_245 = tpu.memref_squeeze %dma_start3A_244 : memref<1x128x128xf32, #tpu.memory_space<vmem>> -> memref<128x128xf32, #tpu.memory_space<vmem>>
    tpu.enqueue_dma source(%dma_start3A_245 : memref<128x128xf32, #tpu.memory_space<vmem>>) target(%dma_start3A_241 : memref<128x128xf32, #tpu.memory_space<hbm>>) target_semaphore(%dma_start3A_238 : memref<!tpu.dma_semaphore, #tpu.memory_space<semaphore_mem>>)
    %dma_wait3A_246 = arith.constant 1 : i32
    %dma_wait3A_247 = arith.constant 1 : i32
    %dma_wait3A_248 = arith.constant 1 : i32
    %dma_wait3A_249 = arith.constant 0 : i32
    %dma_wait3A_250 = arith.constant 0 : i32
    %dma_wait3A_251 = tpu.memref_slice %arg6[%dma_wait3A_246, %dma_wait3A_249, %dma_wait3A_250] : memref<5x128x128xf32, #tpu.memory_space<vmem>> -> memref<1x128x128xf32, #tpu.memory_space<vmem>>
    %dma_wait3A_252 = tpu.memref_squeeze %dma_wait3A_251 : memref<1x128x128xf32, #tpu.memory_space<vmem>> -> memref<128x128xf32, #tpu.memory_space<vmem>>
    %dma_wait3A_253 = arith.constant 0 : i32
    %dma_wait3A_254 = tpu.memref_slice %arg4[%dma_wait3A_247, %multiple_of3A, %dma_wait3A_253] : memref<50x4096x128xf32, #tpu.memory_space<hbm>> -> memref<1x128x128xf32, #tpu.memory_space<hbm>>
    %dma_wait3A_255 = tpu.memref_squeeze %dma_wait3A_254 : memref<1x128x128xf32, #tpu.memory_space<hbm>> -> memref<128x128xf32, #tpu.memory_space<hbm>>
    %dma_wait3A_256 = tpu.memref_slice %arg8[%dma_wait3A_248] : memref<5x!tpu.dma_semaphore, #tpu.memory_space<semaphore_mem>> -> memref<1x!tpu.dma_semaphore, #tpu.memory_space<semaphore_mem>>
    %dma_wait3A_257 = tpu.memref_squeeze %dma_wait3A_256 : memref<1x!tpu.dma_semaphore, #tpu.memory_space<semaphore_mem>> -> memref<!tpu.dma_semaphore, #tpu.memory_space<semaphore_mem>>
    %dma_wait3A_258 = arith.constant 0 : i32
    %dma_wait3A_259 = tpu.memref_slice %arg4[%dma_wait3A_247, %multiple_of3A, %dma_wait3A_258] : memref<50x4096x128xf32, #tpu.memory_space<hbm>> -> memref<1x128x128xf32, #tpu.memory_space<hbm>>
    %dma_wait3A_260 = tpu.memref_squeeze %dma_wait3A_259 : memref<1x128x128xf32, #tpu.memory_space<hbm>> -> memref<128x128xf32, #tpu.memory_space<hbm>>
    %dma_wait3A_261 = arith.constant 0 : i32
    %dma_wait3A_262 = arith.constant 0 : i32
    %dma_wait3A_263 = tpu.memref_slice %arg6[%dma_wait3A_246, %dma_wait3A_261, %dma_wait3A_262] : memref<5x128x128xf32, #tpu.memory_space<vmem>> -> memref<1x128x128xf32, #tpu.memory_space<vmem>>
    %dma_wait3A_264 = tpu.memref_squeeze %dma_wait3A_263 : memref<1x128x128xf32, #tpu.memory_space<vmem>> -> memref<128x128xf32, #tpu.memory_space<vmem>>
    tpu.wait_dma2 semaphore(%dma_wait3A_257 : memref<!tpu.dma_semaphore, #tpu.memory_space<semaphore_mem>>) src(%dma_wait3A_264 : memref<128x128xf32, #tpu.memory_space<vmem>>) dst(%dma_wait3A_260 : memref<128x128xf32, #tpu.memory_space<hbm>>)
    %dma_start3A_265 = arith.constant 6 : i32
    %dma_start3A_266 = arith.constant 1 : i32
    %dma_start3A_267 = arith.constant 1 : i32
    %dma_start3A_268 = arith.constant 0 : i32
    %dma_start3A_269 = arith.constant 0 : i32
    %dma_start3A_270 = tpu.memref_slice %arg6[%dma_start3A_266, %dma_start3A_268, %dma_start3A_269] : memref<5x128x128xf32, #tpu.memory_space<vmem>> -> memref<1x128x128xf32, #tpu.memory_space<vmem>>
    %dma_start3A_271 = tpu.memref_squeeze %dma_start3A_270 : memref<1x128x128xf32, #tpu.memory_space<vmem>> -> memref<128x128xf32, #tpu.memory_space<vmem>>
    %dma_start3A_272 = arith.constant 0 : i32
    %dma_start3A_273 = tpu.memref_slice %arg5[%dma_start3A_265, %dma_start3A_272] : memref<50x128xi32, #tpu.memory_space<vmem>> -> memref<1x128xi32, #tpu.memory_space<vmem>>
    %dma_start3A_274 = tpu.memref_squeeze %dma_start3A_273 : memref<1x128xi32, #tpu.memory_space<vmem>> -> memref<128xi32, #tpu.memory_space<vmem>>
    %dma_start3A_275 = arith.constant 0 : i32
    %dma_start3A_276 = arith.constant 0 : i32
    %dma_start3A_277 = tpu.memref_slice %arg3[%dma_start3A_275, %dma_start3A_276] : memref<100000x128xf32, #tpu.memory_space<hbm>> -> memref<100000x128xf32, #tpu.memory_space<hbm>>
    %dma_start3A_278 = tpu.memref_slice %arg7[%dma_start3A_267] : memref<5x!tpu.dma_semaphore, #tpu.memory_space<semaphore_mem>> -> memref<1x!tpu.dma_semaphore, #tpu.memory_space<semaphore_mem>>
    %dma_start3A_279 = tpu.memref_squeeze %dma_start3A_278 : memref<1x!tpu.dma_semaphore, #tpu.memory_space<semaphore_mem>> -> memref<!tpu.dma_semaphore, #tpu.memory_space<semaphore_mem>>
    tpu.enqueue_indirect_dma source(%dma_start3A_277 : memref<100000x128xf32, #tpu.memory_space<hbm>>) target(%dma_start3A_271 : memref<128x128xf32, #tpu.memory_space<vmem>>) offsets(%dma_start3A_274 : memref<128xi32, #tpu.memory_space<vmem>>) semaphore(%dma_start3A_279 : memref<!tpu.dma_semaphore, #tpu.memory_space<semaphore_mem>>)
    %dma_wait3A_280 = arith.constant 4 : i32
    %dma_wait3A_281 = arith.constant 4 : i32
    %dma_wait3A_282 = arith.constant 4 : i32
    %dma_wait3A_283 = arith.constant 0 : i32
    %dma_wait3A_284 = arith.constant 0 : i32
    %dma_wait3A_285 = tpu.memref_slice %arg6[%dma_wait3A_281, %dma_wait3A_283, %dma_wait3A_284] : memref<5x128x128xf32, #tpu.memory_space<vmem>> -> memref<1x128x128xf32, #tpu.memory_space<vmem>>
    %dma_wait3A_286 = tpu.memref_squeeze %dma_wait3A_285 : memref<1x128x128xf32, #tpu.memory_space<vmem>> -> memref<128x128xf32, #tpu.memory_space<vmem>>
    %dma_wait3A_287 = arith.constant 0 : i32
    %dma_wait3A_288 = tpu.memref_slice %arg5[%dma_wait3A_280, %dma_wait3A_287] : memref<50x128xi32, #tpu.memory_space<vmem>> -> memref<1x128xi32, #tpu.memory_space<vmem>>
    %dma_wait3A_289 = tpu.memref_squeeze %dma_wait3A_288 : memref<1x128xi32, #tpu.memory_space<vmem>> -> memref<128xi32, #tpu.memory_space<vmem>>
    %dma_wait3A_290 = arith.constant 0 : i32
    %dma_wait3A_291 = arith.constant 0 : i32
    %dma_wait3A_292 = tpu.memref_slice %arg3[%dma_wait3A_290, %dma_wait3A_291] : memref<100000x128xf32, #tpu.memory_space<hbm>> -> memref<100000x128xf32, #tpu.memory_space<hbm>>
    %dma_wait3A_293 = tpu.memref_slice %arg7[%dma_wait3A_282] : memref<5x!tpu.dma_semaphore, #tpu.memory_space<semaphore_mem>> -> memref<1x!tpu.dma_semaphore, #tpu.memory_space<semaphore_mem>>
    %dma_wait3A_294 = tpu.memref_squeeze %dma_wait3A_293 : memref<1x!tpu.dma_semaphore, #tpu.memory_space<semaphore_mem>> -> memref<!tpu.dma_semaphore, #tpu.memory_space<semaphore_mem>>
    tpu.wait_indirect_dma semaphore(%dma_wait3A_294 : memref<!tpu.dma_semaphore, #tpu.memory_space<semaphore_mem>>) src(%dma_wait3A_292 : memref<100000x128xf32, #tpu.memory_space<hbm>>) dst(%dma_wait3A_286 : memref<128x128xf32, #tpu.memory_space<vmem>>)
    %dma_start3A_295 = arith.constant 4 : i32
    %dma_start3A_296 = arith.constant 4 : i32
    %dma_start3A_297 = arith.constant 4 : i32
    %dma_start3A_298 = arith.constant 0 : i32
    %dma_start3A_299 = arith.constant 0 : i32
    %dma_start3A_300 = tpu.memref_slice %arg6[%dma_start3A_295, %dma_start3A_298, %dma_start3A_299] : memref<5x128x128xf32, #tpu.memory_space<vmem>> -> memref<1x128x128xf32, #tpu.memory_space<vmem>>
    %dma_start3A_301 = tpu.memref_squeeze %dma_start3A_300 : memref<1x128x128xf32, #tpu.memory_space<vmem>> -> memref<128x128xf32, #tpu.memory_space<vmem>>
    %dma_start3A_302 = arith.constant 0 : i32
    %dma_start3A_303 = tpu.memref_slice %arg4[%dma_start3A_296, %multiple_of3A, %dma_start3A_302] : memref<50x4096x128xf32, #tpu.memory_space<hbm>> -> memref<1x128x128xf32, #tpu.memory_space<hbm>>
    %dma_start3A_304 = tpu.memref_squeeze %dma_start3A_303 : memref<1x128x128xf32, #tpu.memory_space<hbm>> -> memref<128x128xf32, #tpu.memory_space<hbm>>
    %dma_start3A_305 = tpu.memref_slice %arg8[%dma_start3A_297] : memref<5x!tpu.dma_semaphore, #tpu.memory_space<semaphore_mem>> -> memref<1x!tpu.dma_semaphore, #tpu.memory_space<semaphore_mem>>
    %dma_start3A_306 = tpu.memref_squeeze %dma_start3A_305 : memref<1x!tpu.dma_semaphore, #tpu.memory_space<semaphore_mem>> -> memref<!tpu.dma_semaphore, #tpu.memory_space<semaphore_mem>>
    %dma_start3A_307 = arith.constant 0 : i32
    %dma_start3A_308 = tpu.memref_slice %arg4[%dma_start3A_296, %multiple_of3A, %dma_start3A_307] : memref<50x4096x128xf32, #tpu.memory_space<hbm>> -> memref<1x128x128xf32, #tpu.memory_space<hbm>>
    %dma_start3A_309 = tpu.memref_squeeze %dma_start3A_308 : memref<1x128x128xf32, #tpu.memory_space<hbm>> -> memref<128x128xf32, #tpu.memory_space<hbm>>
    %dma_start3A_310 = arith.constant 0 : i32
    %dma_start3A_311 = arith.constant 0 : i32
    %dma_start3A_312 = tpu.memref_slice %arg6[%dma_start3A_295, %dma_start3A_310, %dma_start3A_311] : memref<5x128x128xf32, #tpu.memory_space<vmem>> -> memref<1x128x128xf32, #tpu.memory_space<vmem>>
    %dma_start3A_313 = tpu.memref_squeeze %dma_start3A_312 : memref<1x128x128xf32, #tpu.memory_space<vmem>> -> memref<128x128xf32, #tpu.memory_space<vmem>>
    tpu.enqueue_dma source(%dma_start3A_313 : memref<128x128xf32, #tpu.memory_space<vmem>>) target(%dma_start3A_309 : memref<128x128xf32, #tpu.memory_space<hbm>>) target_semaphore(%dma_start3A_306 : memref<!tpu.dma_semaphore, #tpu.memory_space<semaphore_mem>>)
    %dma_wait3A_314 = arith.constant 2 : i32
    %dma_wait3A_315 = arith.constant 2 : i32
    %dma_wait3A_316 = arith.constant 2 : i32
    %dma_wait3A_317 = arith.constant 0 : i32
    %dma_wait3A_318 = arith.constant 0 : i32
    %dma_wait3A_319 = tpu.memref_slice %arg6[%dma_wait3A_314, %dma_wait3A_317, %dma_wait3A_318] : memref<5x128x128xf32, #tpu.memory_space<vmem>> -> memref<1x128x128xf32, #tpu.memory_space<vmem>>
    %dma_wait3A_320 = tpu.memref_squeeze %dma_wait3A_319 : memref<1x128x128xf32, #tpu.memory_space<vmem>> -> memref<128x128xf32, #tpu.memory_space<vmem>>
    %dma_wait3A_321 = arith.constant 0 : i32
    %dma_wait3A_322 = tpu.memref_slice %arg4[%dma_wait3A_315, %multiple_of3A, %dma_wait3A_321] : memref<50x4096x128xf32, #tpu.memory_space<hbm>> -> memref<1x128x128xf32, #tpu.memory_space<hbm>>
    %dma_wait3A_323 = tpu.memref_squeeze %dma_wait3A_322 : memref<1x128x128xf32, #tpu.memory_space<hbm>> -> memref<128x128xf32, #tpu.memory_space<hbm>>
    %dma_wait3A_324 = tpu.memref_slice %arg8[%dma_wait3A_316] : memref<5x!tpu.dma_semaphore, #tpu.memory_space<semaphore_mem>> -> memref<1x!tpu.dma_semaphore, #tpu.memory_space<semaphore_mem>>
    %dma_wait3A_325 = tpu.memref_squeeze %dma_wait3A_324 : memref<1x!tpu.dma_semaphore, #tpu.memory_space<semaphore_mem>> -> memref<!tpu.dma_semaphore, #tpu.memory_space<semaphore_mem>>
    %dma_wait3A_326 = arith.constant 0 : i32
    %dma_wait3A_327 = tpu.memref_slice %arg4[%dma_wait3A_315, %multiple_of3A, %dma_wait3A_326] : memref<50x4096x128xf32, #tpu.memory_space<hbm>> -> memref<1x128x128xf32, #tpu.memory_space<hbm>>
    %dma_wait3A_328 = tpu.memref_squeeze %dma_wait3A_327 : memref<1x128x128xf32, #tpu.memory_space<hbm>> -> memref<128x128xf32, #tpu.memory_space<hbm>>
    %dma_wait3A_329 = arith.constant 0 : i32
    %dma_wait3A_330 = arith.constant 0 : i32
    %dma_wait3A_331 = tpu.memref_slice %arg6[%dma_wait3A_314, %dma_wait3A_329, %dma_wait3A_330] : memref<5x128x128xf32, #tpu.memory_space<vmem>> -> memref<1x128x128xf32, #tpu.memory_space<vmem>>
    %dma_wait3A_332 = tpu.memref_squeeze %dma_wait3A_331 : memref<1x128x128xf32, #tpu.memory_space<vmem>> -> memref<128x128xf32, #tpu.memory_space<vmem>>
    tpu.wait_dma2 semaphore(%dma_wait3A_325 : memref<!tpu.dma_semaphore, #tpu.memory_space<semaphore_mem>>) src(%dma_wait3A_332 : memref<128x128xf32, #tpu.memory_space<vmem>>) dst(%dma_wait3A_328 : memref<128x128xf32, #tpu.memory_space<hbm>>)
    %dma_start3A_333 = arith.constant 7 : i32
    %dma_start3A_334 = arith.constant 2 : i32
    %dma_start3A_335 = arith.constant 2 : i32
    %dma_start3A_336 = arith.constant 0 : i32
    %dma_start3A_337 = arith.constant 0 : i32
    %dma_start3A_338 = tpu.memref_slice %arg6[%dma_start3A_334, %dma_start3A_336, %dma_start3A_337] : memref<5x128x128xf32, #tpu.memory_space<vmem>> -> memref<1x128x128xf32, #tpu.memory_space<vmem>>
    %dma_start3A_339 = tpu.memref_squeeze %dma_start3A_338 : memref<1x128x128xf32, #tpu.memory_space<vmem>> -> memref<128x128xf32, #tpu.memory_space<vmem>>
    %dma_start3A_340 = arith.constant 0 : i32
    %dma_start3A_341 = tpu.memref_slice %arg5[%dma_start3A_333, %dma_start3A_340] : memref<50x128xi32, #tpu.memory_space<vmem>> -> memref<1x128xi32, #tpu.memory_space<vmem>>
    %dma_start3A_342 = tpu.memref_squeeze %dma_start3A_341 : memref<1x128xi32, #tpu.memory_space<vmem>> -> memref<128xi32, #tpu.memory_space<vmem>>
    %dma_start3A_343 = arith.constant 0 : i32
    %dma_start3A_344 = arith.constant 0 : i32
    %dma_start3A_345 = tpu.memref_slice %arg3[%dma_start3A_343, %dma_start3A_344] : memref<100000x128xf32, #tpu.memory_space<hbm>> -> memref<100000x128xf32, #tpu.memory_space<hbm>>
    %dma_start3A_346 = tpu.memref_slice %arg7[%dma_start3A_335] : memref<5x!tpu.dma_semaphore, #tpu.memory_space<semaphore_mem>> -> memref<1x!tpu.dma_semaphore, #tpu.memory_space<semaphore_mem>>
    %dma_start3A_347 = tpu.memref_squeeze %dma_start3A_346 : memref<1x!tpu.dma_semaphore, #tpu.memory_space<semaphore_mem>> -> memref<!tpu.dma_semaphore, #tpu.memory_space<semaphore_mem>>
    tpu.enqueue_indirect_dma source(%dma_start3A_345 : memref<100000x128xf32, #tpu.memory_space<hbm>>) target(%dma_start3A_339 : memref<128x128xf32, #tpu.memory_space<vmem>>) offsets(%dma_start3A_342 : memref<128xi32, #tpu.memory_space<vmem>>) semaphore(%dma_start3A_347 : memref<!tpu.dma_semaphore, #tpu.memory_space<semaphore_mem>>)
    %scan3A = arith.constant 0 : i32
    %scan3A_348 = arith.constant 1 : i32
    %scan3A_349 = arith.constant 8 : i32
    %scan3A_350 = arith.addi %scan3A_348, %scan3A_349 : i32
    %scan3A_351 = arith.constant 1 : i32
    scf.for %scan3A_686 = %scan3A_348 to %scan3A_350 step %scan3A_351  : i32 {
      %mul3A_687 = arith.constant 5 : i32
      %mul3A_688 = arith.muli %scan3A_686, %mul3A_687 : i32
      %add3A_689 = arith.constant 0 : i32
      %add3A_690 = arith.addi %mul3A_688, %add3A_689 : i32
      %dma_wait3A_691 = arith.constant 0 : i32
      %dma_wait3A_692 = arith.constant 0 : i32
      %dma_wait3A_693 = arith.constant 0 : i32
      %dma_wait3A_694 = arith.constant 0 : i32
      %dma_wait3A_695 = tpu.memref_slice %arg6[%dma_wait3A_691, %dma_wait3A_693, %dma_wait3A_694] : memref<5x128x128xf32, #tpu.memory_space<vmem>> -> memref<1x128x128xf32, #tpu.memory_space<vmem>>
      %dma_wait3A_696 = tpu.memref_squeeze %dma_wait3A_695 : memref<1x128x128xf32, #tpu.memory_space<vmem>> -> memref<128x128xf32, #tpu.memory_space<vmem>>
      %dma_wait3A_697 = arith.constant 0 : i32
      %dma_wait3A_698 = tpu.memref_slice %arg5[%add3A_690, %dma_wait3A_697] : memref<50x128xi32, #tpu.memory_space<vmem>> -> memref<1x128xi32, #tpu.memory_space<vmem>>
      %dma_wait3A_699 = tpu.memref_squeeze %dma_wait3A_698 : memref<1x128xi32, #tpu.memory_space<vmem>> -> memref<128xi32, #tpu.memory_space<vmem>>
      %dma_wait3A_700 = arith.constant 0 : i32
      %dma_wait3A_701 = arith.constant 0 : i32
      %dma_wait3A_702 = tpu.memref_slice %arg3[%dma_wait3A_700, %dma_wait3A_701] : memref<100000x128xf32, #tpu.memory_space<hbm>> -> memref<100000x128xf32, #tpu.memory_space<hbm>>
      %dma_wait3A_703 = tpu.memref_slice %arg7[%dma_wait3A_692] : memref<5x!tpu.dma_semaphore, #tpu.memory_space<semaphore_mem>> -> memref<1x!tpu.dma_semaphore, #tpu.memory_space<semaphore_mem>>
      %dma_wait3A_704 = tpu.memref_squeeze %dma_wait3A_703 : memref<1x!tpu.dma_semaphore, #tpu.memory_space<semaphore_mem>> -> memref<!tpu.dma_semaphore, #tpu.memory_space<semaphore_mem>>
      tpu.wait_indirect_dma semaphore(%dma_wait3A_704 : memref<!tpu.dma_semaphore, #tpu.memory_space<semaphore_mem>>) src(%dma_wait3A_702 : memref<100000x128xf32, #tpu.memory_space<hbm>>) dst(%dma_wait3A_696 : memref<128x128xf32, #tpu.memory_space<vmem>>)
      %dma_start3A_705 = arith.constant 0 : i32
      %dma_start3A_706 = arith.constant 0 : i32
      %dma_start3A_707 = arith.constant 0 : i32
      %dma_start3A_708 = arith.constant 0 : i32
      %dma_start3A_709 = tpu.memref_slice %arg6[%dma_start3A_705, %dma_start3A_707, %dma_start3A_708] : memref<5x128x128xf32, #tpu.memory_space<vmem>> -> memref<1x128x128xf32, #tpu.memory_space<vmem>>
      %dma_start3A_710 = tpu.memref_squeeze %dma_start3A_709 : memref<1x128x128xf32, #tpu.memory_space<vmem>> -> memref<128x128xf32, #tpu.memory_space<vmem>>
      %dma_start3A_711 = arith.constant 0 : i32
      %dma_start3A_712 = tpu.memref_slice %arg4[%add3A_690, %multiple_of3A, %dma_start3A_711] : memref<50x4096x128xf32, #tpu.memory_space<hbm>> -> memref<1x128x128xf32, #tpu.memory_space<hbm>>
      %dma_start3A_713 = tpu.memref_squeeze %dma_start3A_712 : memref<1x128x128xf32, #tpu.memory_space<hbm>> -> memref<128x128xf32, #tpu.memory_space<hbm>>
      %dma_start3A_714 = tpu.memref_slice %arg8[%dma_start3A_706] : memref<5x!tpu.dma_semaphore, #tpu.memory_space<semaphore_mem>> -> memref<1x!tpu.dma_semaphore, #tpu.memory_space<semaphore_mem>>
      %dma_start3A_715 = tpu.memref_squeeze %dma_start3A_714 : memref<1x!tpu.dma_semaphore, #tpu.memory_space<semaphore_mem>> -> memref<!tpu.dma_semaphore, #tpu.memory_space<semaphore_mem>>
      %dma_start3A_716 = arith.constant 0 : i32
      %dma_start3A_717 = tpu.memref_slice %arg4[%add3A_690, %multiple_of3A, %dma_start3A_716] : memref<50x4096x128xf32, #tpu.memory_space<hbm>> -> memref<1x128x128xf32, #tpu.memory_space<hbm>>
      %dma_start3A_718 = tpu.memref_squeeze %dma_start3A_717 : memref<1x128x128xf32, #tpu.memory_space<hbm>> -> memref<128x128xf32, #tpu.memory_space<hbm>>
      %dma_start3A_719 = arith.constant 0 : i32
      %dma_start3A_720 = arith.constant 0 : i32
      %dma_start3A_721 = tpu.memref_slice %arg6[%dma_start3A_705, %dma_start3A_719, %dma_start3A_720] : memref<5x128x128xf32, #tpu.memory_space<vmem>> -> memref<1x128x128xf32, #tpu.memory_space<vmem>>
      %dma_start3A_722 = tpu.memref_squeeze %dma_start3A_721 : memref<1x128x128xf32, #tpu.memory_space<vmem>> -> memref<128x128xf32, #tpu.memory_space<vmem>>
      tpu.enqueue_dma source(%dma_start3A_722 : memref<128x128xf32, #tpu.memory_space<vmem>>) target(%dma_start3A_718 : memref<128x128xf32, #tpu.memory_space<hbm>>) target_semaphore(%dma_start3A_715 : memref<!tpu.dma_semaphore, #tpu.memory_space<semaphore_mem>>)
      %sub3A = arith.constant 2 : i32
      %sub3A_723 = arith.subi %add3A_690, %sub3A : i32
      %dma_wait3A_724 = arith.constant 3 : i32
      %dma_wait3A_725 = arith.constant 3 : i32
      %dma_wait3A_726 = arith.constant 0 : i32
      %dma_wait3A_727 = arith.constant 0 : i32
      %dma_wait3A_728 = tpu.memref_slice %arg6[%dma_wait3A_724, %dma_wait3A_726, %dma_wait3A_727] : memref<5x128x128xf32, #tpu.memory_space<vmem>> -> memref<1x128x128xf32, #tpu.memory_space<vmem>>
      %dma_wait3A_729 = tpu.memref_squeeze %dma_wait3A_728 : memref<1x128x128xf32, #tpu.memory_space<vmem>> -> memref<128x128xf32, #tpu.memory_space<vmem>>
      %dma_wait3A_730 = arith.constant 0 : i32
      %dma_wait3A_731 = tpu.memref_slice %arg4[%sub3A_723, %multiple_of3A, %dma_wait3A_730] : memref<50x4096x128xf32, #tpu.memory_space<hbm>> -> memref<1x128x128xf32, #tpu.memory_space<hbm>>
      %dma_wait3A_732 = tpu.memref_squeeze %dma_wait3A_731 : memref<1x128x128xf32, #tpu.memory_space<hbm>> -> memref<128x128xf32, #tpu.memory_space<hbm>>
      %dma_wait3A_733 = tpu.memref_slice %arg8[%dma_wait3A_725] : memref<5x!tpu.dma_semaphore, #tpu.memory_space<semaphore_mem>> -> memref<1x!tpu.dma_semaphore, #tpu.memory_space<semaphore_mem>>
      %dma_wait3A_734 = tpu.memref_squeeze %dma_wait3A_733 : memref<1x!tpu.dma_semaphore, #tpu.memory_space<semaphore_mem>> -> memref<!tpu.dma_semaphore, #tpu.memory_space<semaphore_mem>>
      %dma_wait3A_735 = arith.constant 0 : i32
      %dma_wait3A_736 = tpu.memref_slice %arg4[%sub3A_723, %multiple_of3A, %dma_wait3A_735] : memref<50x4096x128xf32, #tpu.memory_space<hbm>> -> memref<1x128x128xf32, #tpu.memory_space<hbm>>
      %dma_wait3A_737 = tpu.memref_squeeze %dma_wait3A_736 : memref<1x128x128xf32, #tpu.memory_space<hbm>> -> memref<128x128xf32, #tpu.memory_space<hbm>>
      %dma_wait3A_738 = arith.constant 0 : i32
      %dma_wait3A_739 = arith.constant 0 : i32
      %dma_wait3A_740 = tpu.memref_slice %arg6[%dma_wait3A_724, %dma_wait3A_738, %dma_wait3A_739] : memref<5x128x128xf32, #tpu.memory_space<vmem>> -> memref<1x128x128xf32, #tpu.memory_space<vmem>>
      %dma_wait3A_741 = tpu.memref_squeeze %dma_wait3A_740 : memref<1x128x128xf32, #tpu.memory_space<vmem>> -> memref<128x128xf32, #tpu.memory_space<vmem>>
      tpu.wait_dma2 semaphore(%dma_wait3A_734 : memref<!tpu.dma_semaphore, #tpu.memory_space<semaphore_mem>>) src(%dma_wait3A_741 : memref<128x128xf32, #tpu.memory_space<vmem>>) dst(%dma_wait3A_737 : memref<128x128xf32, #tpu.memory_space<hbm>>)
      %add3A_742 = arith.constant 3 : i32
      %add3A_743 = arith.addi %add3A_690, %add3A_742 : i32
      %dma_start3A_744 = arith.constant 3 : i32
      %dma_start3A_745 = arith.constant 3 : i32
      %dma_start3A_746 = arith.constant 0 : i32
      %dma_start3A_747 = arith.constant 0 : i32
      %dma_start3A_748 = tpu.memref_slice %arg6[%dma_start3A_744, %dma_start3A_746, %dma_start3A_747] : memref<5x128x128xf32, #tpu.memory_space<vmem>> -> memref<1x128x128xf32, #tpu.memory_space<vmem>>
      %dma_start3A_749 = tpu.memref_squeeze %dma_start3A_748 : memref<1x128x128xf32, #tpu.memory_space<vmem>> -> memref<128x128xf32, #tpu.memory_space<vmem>>
      %dma_start3A_750 = arith.constant 0 : i32
      %dma_start3A_751 = tpu.memref_slice %arg5[%add3A_743, %dma_start3A_750] : memref<50x128xi32, #tpu.memory_space<vmem>> -> memref<1x128xi32, #tpu.memory_space<vmem>>
      %dma_start3A_752 = tpu.memref_squeeze %dma_start3A_751 : memref<1x128xi32, #tpu.memory_space<vmem>> -> memref<128xi32, #tpu.memory_space<vmem>>
      %dma_start3A_753 = arith.constant 0 : i32
      %dma_start3A_754 = arith.constant 0 : i32
      %dma_start3A_755 = tpu.memref_slice %arg3[%dma_start3A_753, %dma_start3A_754] : memref<100000x128xf32, #tpu.memory_space<hbm>> -> memref<100000x128xf32, #tpu.memory_space<hbm>>
      %dma_start3A_756 = tpu.memref_slice %arg7[%dma_start3A_745] : memref<5x!tpu.dma_semaphore, #tpu.memory_space<semaphore_mem>> -> memref<1x!tpu.dma_semaphore, #tpu.memory_space<semaphore_mem>>
      %dma_start3A_757 = tpu.memref_squeeze %dma_start3A_756 : memref<1x!tpu.dma_semaphore, #tpu.memory_space<semaphore_mem>> -> memref<!tpu.dma_semaphore, #tpu.memory_space<semaphore_mem>>
      tpu.enqueue_indirect_dma source(%dma_start3A_755 : memref<100000x128xf32, #tpu.memory_space<hbm>>) target(%dma_start3A_749 : memref<128x128xf32, #tpu.memory_space<vmem>>) offsets(%dma_start3A_752 : memref<128xi32, #tpu.memory_space<vmem>>) semaphore(%dma_start3A_757 : memref<!tpu.dma_semaphore, #tpu.memory_space<semaphore_mem>>)
      %mul3A_758 = arith.constant 5 : i32
      %mul3A_759 = arith.muli %scan3A_686, %mul3A_758 : i32
      %add3A_760 = arith.constant 1 : i32
      %add3A_761 = arith.addi %mul3A_759, %add3A_760 : i32
      %dma_wait3A_762 = arith.constant 1 : i32
      %dma_wait3A_763 = arith.constant 1 : i32
      %dma_wait3A_764 = arith.constant 0 : i32
      %dma_wait3A_765 = arith.constant 0 : i32
      %dma_wait3A_766 = tpu.memref_slice %arg6[%dma_wait3A_762, %dma_wait3A_764, %dma_wait3A_765] : memref<5x128x128xf32, #tpu.memory_space<vmem>> -> memref<1x128x128xf32, #tpu.memory_space<vmem>>
      %dma_wait3A_767 = tpu.memref_squeeze %dma_wait3A_766 : memref<1x128x128xf32, #tpu.memory_space<vmem>> -> memref<128x128xf32, #tpu.memory_space<vmem>>
      %dma_wait3A_768 = arith.constant 0 : i32
      %dma_wait3A_769 = tpu.memref_slice %arg5[%add3A_761, %dma_wait3A_768] : memref<50x128xi32, #tpu.memory_space<vmem>> -> memref<1x128xi32, #tpu.memory_space<vmem>>
      %dma_wait3A_770 = tpu.memref_squeeze %dma_wait3A_769 : memref<1x128xi32, #tpu.memory_space<vmem>> -> memref<128xi32, #tpu.memory_space<vmem>>
      %dma_wait3A_771 = arith.constant 0 : i32
      %dma_wait3A_772 = arith.constant 0 : i32
      %dma_wait3A_773 = tpu.memref_slice %arg3[%dma_wait3A_771, %dma_wait3A_772] : memref<100000x128xf32, #tpu.memory_space<hbm>> -> memref<100000x128xf32, #tpu.memory_space<hbm>>
      %dma_wait3A_774 = tpu.memref_slice %arg7[%dma_wait3A_763] : memref<5x!tpu.dma_semaphore, #tpu.memory_space<semaphore_mem>> -> memref<1x!tpu.dma_semaphore, #tpu.memory_space<semaphore_mem>>
      %dma_wait3A_775 = tpu.memref_squeeze %dma_wait3A_774 : memref<1x!tpu.dma_semaphore, #tpu.memory_space<semaphore_mem>> -> memref<!tpu.dma_semaphore, #tpu.memory_space<semaphore_mem>>
      tpu.wait_indirect_dma semaphore(%dma_wait3A_775 : memref<!tpu.dma_semaphore, #tpu.memory_space<semaphore_mem>>) src(%dma_wait3A_773 : memref<100000x128xf32, #tpu.memory_space<hbm>>) dst(%dma_wait3A_767 : memref<128x128xf32, #tpu.memory_space<vmem>>)
      %dma_start3A_776 = arith.constant 1 : i32
      %dma_start3A_777 = arith.constant 1 : i32
      %dma_start3A_778 = arith.constant 0 : i32
      %dma_start3A_779 = arith.constant 0 : i32
      %dma_start3A_780 = tpu.memref_slice %arg6[%dma_start3A_776, %dma_start3A_778, %dma_start3A_779] : memref<5x128x128xf32, #tpu.memory_space<vmem>> -> memref<1x128x128xf32, #tpu.memory_space<vmem>>
      %dma_start3A_781 = tpu.memref_squeeze %dma_start3A_780 : memref<1x128x128xf32, #tpu.memory_space<vmem>> -> memref<128x128xf32, #tpu.memory_space<vmem>>
      %dma_start3A_782 = arith.constant 0 : i32
      %dma_start3A_783 = tpu.memref_slice %arg4[%add3A_761, %multiple_of3A, %dma_start3A_782] : memref<50x4096x128xf32, #tpu.memory_space<hbm>> -> memref<1x128x128xf32, #tpu.memory_space<hbm>>
      %dma_start3A_784 = tpu.memref_squeeze %dma_start3A_783 : memref<1x128x128xf32, #tpu.memory_space<hbm>> -> memref<128x128xf32, #tpu.memory_space<hbm>>
      %dma_start3A_785 = tpu.memref_slice %arg8[%dma_start3A_777] : memref<5x!tpu.dma_semaphore, #tpu.memory_space<semaphore_mem>> -> memref<1x!tpu.dma_semaphore, #tpu.memory_space<semaphore_mem>>
      %dma_start3A_786 = tpu.memref_squeeze %dma_start3A_785 : memref<1x!tpu.dma_semaphore, #tpu.memory_space<semaphore_mem>> -> memref<!tpu.dma_semaphore, #tpu.memory_space<semaphore_mem>>
      %dma_start3A_787 = arith.constant 0 : i32
      %dma_start3A_788 = tpu.memref_slice %arg4[%add3A_761, %multiple_of3A, %dma_start3A_787] : memref<50x4096x128xf32, #tpu.memory_space<hbm>> -> memref<1x128x128xf32, #tpu.memory_space<hbm>>
      %dma_start3A_789 = tpu.memref_squeeze %dma_start3A_788 : memref<1x128x128xf32, #tpu.memory_space<hbm>> -> memref<128x128xf32, #tpu.memory_space<hbm>>
      %dma_start3A_790 = arith.constant 0 : i32
      %dma_start3A_791 = arith.constant 0 : i32
      %dma_start3A_792 = tpu.memref_slice %arg6[%dma_start3A_776, %dma_start3A_790, %dma_start3A_791] : memref<5x128x128xf32, #tpu.memory_space<vmem>> -> memref<1x128x128xf32, #tpu.memory_space<vmem>>
      %dma_start3A_793 = tpu.memref_squeeze %dma_start3A_792 : memref<1x128x128xf32, #tpu.memory_space<vmem>> -> memref<128x128xf32, #tpu.memory_space<vmem>>
      tpu.enqueue_dma source(%dma_start3A_793 : memref<128x128xf32, #tpu.memory_space<vmem>>) target(%dma_start3A_789 : memref<128x128xf32, #tpu.memory_space<hbm>>) target_semaphore(%dma_start3A_786 : memref<!tpu.dma_semaphore, #tpu.memory_space<semaphore_mem>>)
      %sub3A_794 = arith.constant 2 : i32
      %sub3A_795 = arith.subi %add3A_761, %sub3A_794 : i32
      %dma_wait3A_796 = arith.constant 4 : i32
      %dma_wait3A_797 = arith.constant 4 : i32
      %dma_wait3A_798 = arith.constant 0 : i32
      %dma_wait3A_799 = arith.constant 0 : i32
      %dma_wait3A_800 = tpu.memref_slice %arg6[%dma_wait3A_796, %dma_wait3A_798, %dma_wait3A_799] : memref<5x128x128xf32, #tpu.memory_space<vmem>> -> memref<1x128x128xf32, #tpu.memory_space<vmem>>
      %dma_wait3A_801 = tpu.memref_squeeze %dma_wait3A_800 : memref<1x128x128xf32, #tpu.memory_space<vmem>> -> memref<128x128xf32, #tpu.memory_space<vmem>>
      %dma_wait3A_802 = arith.constant 0 : i32
      %dma_wait3A_803 = tpu.memref_slice %arg4[%sub3A_795, %multiple_of3A, %dma_wait3A_802] : memref<50x4096x128xf32, #tpu.memory_space<hbm>> -> memref<1x128x128xf32, #tpu.memory_space<hbm>>
      %dma_wait3A_804 = tpu.memref_squeeze %dma_wait3A_803 : memref<1x128x128xf32, #tpu.memory_space<hbm>> -> memref<128x128xf32, #tpu.memory_space<hbm>>
      %dma_wait3A_805 = tpu.memref_slice %arg8[%dma_wait3A_797] : memref<5x!tpu.dma_semaphore, #tpu.memory_space<semaphore_mem>> -> memref<1x!tpu.dma_semaphore, #tpu.memory_space<semaphore_mem>>
      %dma_wait3A_806 = tpu.memref_squeeze %dma_wait3A_805 : memref<1x!tpu.dma_semaphore, #tpu.memory_space<semaphore_mem>> -> memref<!tpu.dma_semaphore, #tpu.memory_space<semaphore_mem>>
      %dma_wait3A_807 = arith.constant 0 : i32
      %dma_wait3A_808 = tpu.memref_slice %arg4[%sub3A_795, %multiple_of3A, %dma_wait3A_807] : memref<50x4096x128xf32, #tpu.memory_space<hbm>> -> memref<1x128x128xf32, #tpu.memory_space<hbm>>
      %dma_wait3A_809 = tpu.memref_squeeze %dma_wait3A_808 : memref<1x128x128xf32, #tpu.memory_space<hbm>> -> memref<128x128xf32, #tpu.memory_space<hbm>>
      %dma_wait3A_810 = arith.constant 0 : i32
      %dma_wait3A_811 = arith.constant 0 : i32
      %dma_wait3A_812 = tpu.memref_slice %arg6[%dma_wait3A_796, %dma_wait3A_810, %dma_wait3A_811] : memref<5x128x128xf32, #tpu.memory_space<vmem>> -> memref<1x128x128xf32, #tpu.memory_space<vmem>>
      %dma_wait3A_813 = tpu.memref_squeeze %dma_wait3A_812 : memref<1x128x128xf32, #tpu.memory_space<vmem>> -> memref<128x128xf32, #tpu.memory_space<vmem>>
      tpu.wait_dma2 semaphore(%dma_wait3A_806 : memref<!tpu.dma_semaphore, #tpu.memory_space<semaphore_mem>>) src(%dma_wait3A_813 : memref<128x128xf32, #tpu.memory_space<vmem>>) dst(%dma_wait3A_809 : memref<128x128xf32, #tpu.memory_space<hbm>>)
      %add3A_814 = arith.constant 3 : i32
      %add3A_815 = arith.addi %add3A_761, %add3A_814 : i32
      %dma_start3A_816 = arith.constant 4 : i32
      %dma_start3A_817 = arith.constant 4 : i32
      %dma_start3A_818 = arith.constant 0 : i32
      %dma_start3A_819 = arith.constant 0 : i32
      %dma_start3A_820 = tpu.memref_slice %arg6[%dma_start3A_816, %dma_start3A_818, %dma_start3A_819] : memref<5x128x128xf32, #tpu.memory_space<vmem>> -> memref<1x128x128xf32, #tpu.memory_space<vmem>>
      %dma_start3A_821 = tpu.memref_squeeze %dma_start3A_820 : memref<1x128x128xf32, #tpu.memory_space<vmem>> -> memref<128x128xf32, #tpu.memory_space<vmem>>
      %dma_start3A_822 = arith.constant 0 : i32
      %dma_start3A_823 = tpu.memref_slice %arg5[%add3A_815, %dma_start3A_822] : memref<50x128xi32, #tpu.memory_space<vmem>> -> memref<1x128xi32, #tpu.memory_space<vmem>>
      %dma_start3A_824 = tpu.memref_squeeze %dma_start3A_823 : memref<1x128xi32, #tpu.memory_space<vmem>> -> memref<128xi32, #tpu.memory_space<vmem>>
      %dma_start3A_825 = arith.constant 0 : i32
      %dma_start3A_826 = arith.constant 0 : i32
      %dma_start3A_827 = tpu.memref_slice %arg3[%dma_start3A_825, %dma_start3A_826] : memref<100000x128xf32, #tpu.memory_space<hbm>> -> memref<100000x128xf32, #tpu.memory_space<hbm>>
      %dma_start3A_828 = tpu.memref_slice %arg7[%dma_start3A_817] : memref<5x!tpu.dma_semaphore, #tpu.memory_space<semaphore_mem>> -> memref<1x!tpu.dma_semaphore, #tpu.memory_space<semaphore_mem>>
      %dma_start3A_829 = tpu.memref_squeeze %dma_start3A_828 : memref<1x!tpu.dma_semaphore, #tpu.memory_space<semaphore_mem>> -> memref<!tpu.dma_semaphore, #tpu.memory_space<semaphore_mem>>
      tpu.enqueue_indirect_dma source(%dma_start3A_827 : memref<100000x128xf32, #tpu.memory_space<hbm>>) target(%dma_start3A_821 : memref<128x128xf32, #tpu.memory_space<vmem>>) offsets(%dma_start3A_824 : memref<128xi32, #tpu.memory_space<vmem>>) semaphore(%dma_start3A_829 : memref<!tpu.dma_semaphore, #tpu.memory_space<semaphore_mem>>)
      %mul3A_830 = arith.constant 5 : i32
      %mul3A_831 = arith.muli %scan3A_686, %mul3A_830 : i32
      %add3A_832 = arith.constant 2 : i32
      %add3A_833 = arith.addi %mul3A_831, %add3A_832 : i32
      %dma_wait3A_834 = arith.constant 2 : i32
      %dma_wait3A_835 = arith.constant 2 : i32
      %dma_wait3A_836 = arith.constant 0 : i32
      %dma_wait3A_837 = arith.constant 0 : i32
      %dma_wait3A_838 = tpu.memref_slice %arg6[%dma_wait3A_834, %dma_wait3A_836, %dma_wait3A_837] : memref<5x128x128xf32, #tpu.memory_space<vmem>> -> memref<1x128x128xf32, #tpu.memory_space<vmem>>
      %dma_wait3A_839 = tpu.memref_squeeze %dma_wait3A_838 : memref<1x128x128xf32, #tpu.memory_space<vmem>> -> memref<128x128xf32, #tpu.memory_space<vmem>>
      %dma_wait3A_840 = arith.constant 0 : i32
      %dma_wait3A_841 = tpu.memref_slice %arg5[%add3A_833, %dma_wait3A_840] : memref<50x128xi32, #tpu.memory_space<vmem>> -> memref<1x128xi32, #tpu.memory_space<vmem>>
      %dma_wait3A_842 = tpu.memref_squeeze %dma_wait3A_841 : memref<1x128xi32, #tpu.memory_space<vmem>> -> memref<128xi32, #tpu.memory_space<vmem>>
      %dma_wait3A_843 = arith.constant 0 : i32
      %dma_wait3A_844 = arith.constant 0 : i32
      %dma_wait3A_845 = tpu.memref_slice %arg3[%dma_wait3A_843, %dma_wait3A_844] : memref<100000x128xf32, #tpu.memory_space<hbm>> -> memref<100000x128xf32, #tpu.memory_space<hbm>>
      %dma_wait3A_846 = tpu.memref_slice %arg7[%dma_wait3A_835] : memref<5x!tpu.dma_semaphore, #tpu.memory_space<semaphore_mem>> -> memref<1x!tpu.dma_semaphore, #tpu.memory_space<semaphore_mem>>
      %dma_wait3A_847 = tpu.memref_squeeze %dma_wait3A_846 : memref<1x!tpu.dma_semaphore, #tpu.memory_space<semaphore_mem>> -> memref<!tpu.dma_semaphore, #tpu.memory_space<semaphore_mem>>
      tpu.wait_indirect_dma semaphore(%dma_wait3A_847 : memref<!tpu.dma_semaphore, #tpu.memory_space<semaphore_mem>>) src(%dma_wait3A_845 : memref<100000x128xf32, #tpu.memory_space<hbm>>) dst(%dma_wait3A_839 : memref<128x128xf32, #tpu.memory_space<vmem>>)
      %dma_start3A_848 = arith.constant 2 : i32
      %dma_start3A_849 = arith.constant 2 : i32
      %dma_start3A_850 = arith.constant 0 : i32
      %dma_start3A_851 = arith.constant 0 : i32
      %dma_start3A_852 = tpu.memref_slice %arg6[%dma_start3A_848, %dma_start3A_850, %dma_start3A_851] : memref<5x128x128xf32, #tpu.memory_space<vmem>> -> memref<1x128x128xf32, #tpu.memory_space<vmem>>
      %dma_start3A_853 = tpu.memref_squeeze %dma_start3A_852 : memref<1x128x128xf32, #tpu.memory_space<vmem>> -> memref<128x128xf32, #tpu.memory_space<vmem>>
      %dma_start3A_854 = arith.constant 0 : i32
      %dma_start3A_855 = tpu.memref_slice %arg4[%add3A_833, %multiple_of3A, %dma_start3A_854] : memref<50x4096x128xf32, #tpu.memory_space<hbm>> -> memref<1x128x128xf32, #tpu.memory_space<hbm>>
      %dma_start3A_856 = tpu.memref_squeeze %dma_start3A_855 : memref<1x128x128xf32, #tpu.memory_space<hbm>> -> memref<128x128xf32, #tpu.memory_space<hbm>>
      %dma_start3A_857 = tpu.memref_slice %arg8[%dma_start3A_849] : memref<5x!tpu.dma_semaphore, #tpu.memory_space<semaphore_mem>> -> memref<1x!tpu.dma_semaphore, #tpu.memory_space<semaphore_mem>>
      %dma_start3A_858 = tpu.memref_squeeze %dma_start3A_857 : memref<1x!tpu.dma_semaphore, #tpu.memory_space<semaphore_mem>> -> memref<!tpu.dma_semaphore, #tpu.memory_space<semaphore_mem>>
      %dma_start3A_859 = arith.constant 0 : i32
      %dma_start3A_860 = tpu.memref_slice %arg4[%add3A_833, %multiple_of3A, %dma_start3A_859] : memref<50x4096x128xf32, #tpu.memory_space<hbm>> -> memref<1x128x128xf32, #tpu.memory_space<hbm>>
      %dma_start3A_861 = tpu.memref_squeeze %dma_start3A_860 : memref<1x128x128xf32, #tpu.memory_space<hbm>> -> memref<128x128xf32, #tpu.memory_space<hbm>>
      %dma_start3A_862 = arith.constant 0 : i32
      %dma_start3A_863 = arith.constant 0 : i32
      %dma_start3A_864 = tpu.memref_slice %arg6[%dma_start3A_848, %dma_start3A_862, %dma_start3A_863] : memref<5x128x128xf32, #tpu.memory_space<vmem>> -> memref<1x128x128xf32, #tpu.memory_space<vmem>>
      %dma_start3A_865 = tpu.memref_squeeze %dma_start3A_864 : memref<1x128x128xf32, #tpu.memory_space<vmem>> -> memref<128x128xf32, #tpu.memory_space<vmem>>
      tpu.enqueue_dma source(%dma_start3A_865 : memref<128x128xf32, #tpu.memory_space<vmem>>) target(%dma_start3A_861 : memref<128x128xf32, #tpu.memory_space<hbm>>) target_semaphore(%dma_start3A_858 : memref<!tpu.dma_semaphore, #tpu.memory_space<semaphore_mem>>)
      %sub3A_866 = arith.constant 2 : i32
      %sub3A_867 = arith.subi %add3A_833, %sub3A_866 : i32
      %dma_wait3A_868 = arith.constant 0 : i32
      %dma_wait3A_869 = arith.constant 0 : i32
      %dma_wait3A_870 = arith.constant 0 : i32
      %dma_wait3A_871 = arith.constant 0 : i32
      %dma_wait3A_872 = tpu.memref_slice %arg6[%dma_wait3A_868, %dma_wait3A_870, %dma_wait3A_871] : memref<5x128x128xf32, #tpu.memory_space<vmem>> -> memref<1x128x128xf32, #tpu.memory_space<vmem>>
      %dma_wait3A_873 = tpu.memref_squeeze %dma_wait3A_872 : memref<1x128x128xf32, #tpu.memory_space<vmem>> -> memref<128x128xf32, #tpu.memory_space<vmem>>
      %dma_wait3A_874 = arith.constant 0 : i32
      %dma_wait3A_875 = tpu.memref_slice %arg4[%sub3A_867, %multiple_of3A, %dma_wait3A_874] : memref<50x4096x128xf32, #tpu.memory_space<hbm>> -> memref<1x128x128xf32, #tpu.memory_space<hbm>>
      %dma_wait3A_876 = tpu.memref_squeeze %dma_wait3A_875 : memref<1x128x128xf32, #tpu.memory_space<hbm>> -> memref<128x128xf32, #tpu.memory_space<hbm>>
      %dma_wait3A_877 = tpu.memref_slice %arg8[%dma_wait3A_869] : memref<5x!tpu.dma_semaphore, #tpu.memory_space<semaphore_mem>> -> memref<1x!tpu.dma_semaphore, #tpu.memory_space<semaphore_mem>>
      %dma_wait3A_878 = tpu.memref_squeeze %dma_wait3A_877 : memref<1x!tpu.dma_semaphore, #tpu.memory_space<semaphore_mem>> -> memref<!tpu.dma_semaphore, #tpu.memory_space<semaphore_mem>>
      %dma_wait3A_879 = arith.constant 0 : i32
      %dma_wait3A_880 = tpu.memref_slice %arg4[%sub3A_867, %multiple_of3A, %dma_wait3A_879] : memref<50x4096x128xf32, #tpu.memory_space<hbm>> -> memref<1x128x128xf32, #tpu.memory_space<hbm>>
      %dma_wait3A_881 = tpu.memref_squeeze %dma_wait3A_880 : memref<1x128x128xf32, #tpu.memory_space<hbm>> -> memref<128x128xf32, #tpu.memory_space<hbm>>
      %dma_wait3A_882 = arith.constant 0 : i32
      %dma_wait3A_883 = arith.constant 0 : i32
      %dma_wait3A_884 = tpu.memref_slice %arg6[%dma_wait3A_868, %dma_wait3A_882, %dma_wait3A_883] : memref<5x128x128xf32, #tpu.memory_space<vmem>> -> memref<1x128x128xf32, #tpu.memory_space<vmem>>
      %dma_wait3A_885 = tpu.memref_squeeze %dma_wait3A_884 : memref<1x128x128xf32, #tpu.memory_space<vmem>> -> memref<128x128xf32, #tpu.memory_space<vmem>>
      tpu.wait_dma2 semaphore(%dma_wait3A_878 : memref<!tpu.dma_semaphore, #tpu.memory_space<semaphore_mem>>) src(%dma_wait3A_885 : memref<128x128xf32, #tpu.memory_space<vmem>>) dst(%dma_wait3A_881 : memref<128x128xf32, #tpu.memory_space<hbm>>)
      %add3A_886 = arith.constant 3 : i32
      %add3A_887 = arith.addi %add3A_833, %add3A_886 : i32
      %dma_start3A_888 = arith.constant 0 : i32
      %dma_start3A_889 = arith.constant 0 : i32
      %dma_start3A_890 = arith.constant 0 : i32
      %dma_start3A_891 = arith.constant 0 : i32
      %dma_start3A_892 = tpu.memref_slice %arg6[%dma_start3A_888, %dma_start3A_890, %dma_start3A_891] : memref<5x128x128xf32, #tpu.memory_space<vmem>> -> memref<1x128x128xf32, #tpu.memory_space<vmem>>
      %dma_start3A_893 = tpu.memref_squeeze %dma_start3A_892 : memref<1x128x128xf32, #tpu.memory_space<vmem>> -> memref<128x128xf32, #tpu.memory_space<vmem>>
      %dma_start3A_894 = arith.constant 0 : i32
      %dma_start3A_895 = tpu.memref_slice %arg5[%add3A_887, %dma_start3A_894] : memref<50x128xi32, #tpu.memory_space<vmem>> -> memref<1x128xi32, #tpu.memory_space<vmem>>
      %dma_start3A_896 = tpu.memref_squeeze %dma_start3A_895 : memref<1x128xi32, #tpu.memory_space<vmem>> -> memref<128xi32, #tpu.memory_space<vmem>>
      %dma_start3A_897 = arith.constant 0 : i32
      %dma_start3A_898 = arith.constant 0 : i32
      %dma_start3A_899 = tpu.memref_slice %arg3[%dma_start3A_897, %dma_start3A_898] : memref<100000x128xf32, #tpu.memory_space<hbm>> -> memref<100000x128xf32, #tpu.memory_space<hbm>>
      %dma_start3A_900 = tpu.memref_slice %arg7[%dma_start3A_889] : memref<5x!tpu.dma_semaphore, #tpu.memory_space<semaphore_mem>> -> memref<1x!tpu.dma_semaphore, #tpu.memory_space<semaphore_mem>>
      %dma_start3A_901 = tpu.memref_squeeze %dma_start3A_900 : memref<1x!tpu.dma_semaphore, #tpu.memory_space<semaphore_mem>> -> memref<!tpu.dma_semaphore, #tpu.memory_space<semaphore_mem>>
      tpu.enqueue_indirect_dma source(%dma_start3A_899 : memref<100000x128xf32, #tpu.memory_space<hbm>>) target(%dma_start3A_893 : memref<128x128xf32, #tpu.memory_space<vmem>>) offsets(%dma_start3A_896 : memref<128xi32, #tpu.memory_space<vmem>>) semaphore(%dma_start3A_901 : memref<!tpu.dma_semaphore, #tpu.memory_space<semaphore_mem>>)
      %mul3A_902 = arith.constant 5 : i32
      %mul3A_903 = arith.muli %scan3A_686, %mul3A_902 : i32
      %add3A_904 = arith.constant 3 : i32
      %add3A_905 = arith.addi %mul3A_903, %add3A_904 : i32
      %dma_wait3A_906 = arith.constant 3 : i32
      %dma_wait3A_907 = arith.constant 3 : i32
      %dma_wait3A_908 = arith.constant 0 : i32
      %dma_wait3A_909 = arith.constant 0 : i32
      %dma_wait3A_910 = tpu.memref_slice %arg6[%dma_wait3A_906, %dma_wait3A_908, %dma_wait3A_909] : memref<5x128x128xf32, #tpu.memory_space<vmem>> -> memref<1x128x128xf32, #tpu.memory_space<vmem>>
      %dma_wait3A_911 = tpu.memref_squeeze %dma_wait3A_910 : memref<1x128x128xf32, #tpu.memory_space<vmem>> -> memref<128x128xf32, #tpu.memory_space<vmem>>
      %dma_wait3A_912 = arith.constant 0 : i32
      %dma_wait3A_913 = tpu.memref_slice %arg5[%add3A_905, %dma_wait3A_912] : memref<50x128xi32, #tpu.memory_space<vmem>> -> memref<1x128xi32, #tpu.memory_space<vmem>>
      %dma_wait3A_914 = tpu.memref_squeeze %dma_wait3A_913 : memref<1x128xi32, #tpu.memory_space<vmem>> -> memref<128xi32, #tpu.memory_space<vmem>>
      %dma_wait3A_915 = arith.constant 0 : i32
      %dma_wait3A_916 = arith.constant 0 : i32
      %dma_wait3A_917 = tpu.memref_slice %arg3[%dma_wait3A_915, %dma_wait3A_916] : memref<100000x128xf32, #tpu.memory_space<hbm>> -> memref<100000x128xf32, #tpu.memory_space<hbm>>
      %dma_wait3A_918 = tpu.memref_slice %arg7[%dma_wait3A_907] : memref<5x!tpu.dma_semaphore, #tpu.memory_space<semaphore_mem>> -> memref<1x!tpu.dma_semaphore, #tpu.memory_space<semaphore_mem>>
      %dma_wait3A_919 = tpu.memref_squeeze %dma_wait3A_918 : memref<1x!tpu.dma_semaphore, #tpu.memory_space<semaphore_mem>> -> memref<!tpu.dma_semaphore, #tpu.memory_space<semaphore_mem>>
      tpu.wait_indirect_dma semaphore(%dma_wait3A_919 : memref<!tpu.dma_semaphore, #tpu.memory_space<semaphore_mem>>) src(%dma_wait3A_917 : memref<100000x128xf32, #tpu.memory_space<hbm>>) dst(%dma_wait3A_911 : memref<128x128xf32, #tpu.memory_space<vmem>>)
      %dma_start3A_920 = arith.constant 3 : i32
      %dma_start3A_921 = arith.constant 3 : i32
      %dma_start3A_922 = arith.constant 0 : i32
      %dma_start3A_923 = arith.constant 0 : i32
      %dma_start3A_924 = tpu.memref_slice %arg6[%dma_start3A_920, %dma_start3A_922, %dma_start3A_923] : memref<5x128x128xf32, #tpu.memory_space<vmem>> -> memref<1x128x128xf32, #tpu.memory_space<vmem>>
      %dma_start3A_925 = tpu.memref_squeeze %dma_start3A_924 : memref<1x128x128xf32, #tpu.memory_space<vmem>> -> memref<128x128xf32, #tpu.memory_space<vmem>>
      %dma_start3A_926 = arith.constant 0 : i32
      %dma_start3A_927 = tpu.memref_slice %arg4[%add3A_905, %multiple_of3A, %dma_start3A_926] : memref<50x4096x128xf32, #tpu.memory_space<hbm>> -> memref<1x128x128xf32, #tpu.memory_space<hbm>>
      %dma_start3A_928 = tpu.memref_squeeze %dma_start3A_927 : memref<1x128x128xf32, #tpu.memory_space<hbm>> -> memref<128x128xf32, #tpu.memory_space<hbm>>
      %dma_start3A_929 = tpu.memref_slice %arg8[%dma_start3A_921] : memref<5x!tpu.dma_semaphore, #tpu.memory_space<semaphore_mem>> -> memref<1x!tpu.dma_semaphore, #tpu.memory_space<semaphore_mem>>
      %dma_start3A_930 = tpu.memref_squeeze %dma_start3A_929 : memref<1x!tpu.dma_semaphore, #tpu.memory_space<semaphore_mem>> -> memref<!tpu.dma_semaphore, #tpu.memory_space<semaphore_mem>>
      %dma_start3A_931 = arith.constant 0 : i32
      %dma_start3A_932 = tpu.memref_slice %arg4[%add3A_905, %multiple_of3A, %dma_start3A_931] : memref<50x4096x128xf32, #tpu.memory_space<hbm>> -> memref<1x128x128xf32, #tpu.memory_space<hbm>>
      %dma_start3A_933 = tpu.memref_squeeze %dma_start3A_932 : memref<1x128x128xf32, #tpu.memory_space<hbm>> -> memref<128x128xf32, #tpu.memory_space<hbm>>
      %dma_start3A_934 = arith.constant 0 : i32
      %dma_start3A_935 = arith.constant 0 : i32
      %dma_start3A_936 = tpu.memref_slice %arg6[%dma_start3A_920, %dma_start3A_934, %dma_start3A_935] : memref<5x128x128xf32, #tpu.memory_space<vmem>> -> memref<1x128x128xf32, #tpu.memory_space<vmem>>
      %dma_start3A_937 = tpu.memref_squeeze %dma_start3A_936 : memref<1x128x128xf32, #tpu.memory_space<vmem>> -> memref<128x128xf32, #tpu.memory_space<vmem>>
      tpu.enqueue_dma source(%dma_start3A_937 : memref<128x128xf32, #tpu.memory_space<vmem>>) target(%dma_start3A_933 : memref<128x128xf32, #tpu.memory_space<hbm>>) target_semaphore(%dma_start3A_930 : memref<!tpu.dma_semaphore, #tpu.memory_space<semaphore_mem>>)
      %sub3A_938 = arith.constant 2 : i32
      %sub3A_939 = arith.subi %add3A_905, %sub3A_938 : i32
      %dma_wait3A_940 = arith.constant 1 : i32
      %dma_wait3A_941 = arith.constant 1 : i32
      %dma_wait3A_942 = arith.constant 0 : i32
      %dma_wait3A_943 = arith.constant 0 : i32
      %dma_wait3A_944 = tpu.memref_slice %arg6[%dma_wait3A_940, %dma_wait3A_942, %dma_wait3A_943] : memref<5x128x128xf32, #tpu.memory_space<vmem>> -> memref<1x128x128xf32, #tpu.memory_space<vmem>>
      %dma_wait3A_945 = tpu.memref_squeeze %dma_wait3A_944 : memref<1x128x128xf32, #tpu.memory_space<vmem>> -> memref<128x128xf32, #tpu.memory_space<vmem>>
      %dma_wait3A_946 = arith.constant 0 : i32
      %dma_wait3A_947 = tpu.memref_slice %arg4[%sub3A_939, %multiple_of3A, %dma_wait3A_946] : memref<50x4096x128xf32, #tpu.memory_space<hbm>> -> memref<1x128x128xf32, #tpu.memory_space<hbm>>
      %dma_wait3A_948 = tpu.memref_squeeze %dma_wait3A_947 : memref<1x128x128xf32, #tpu.memory_space<hbm>> -> memref<128x128xf32, #tpu.memory_space<hbm>>
      %dma_wait3A_949 = tpu.memref_slice %arg8[%dma_wait3A_941] : memref<5x!tpu.dma_semaphore, #tpu.memory_space<semaphore_mem>> -> memref<1x!tpu.dma_semaphore, #tpu.memory_space<semaphore_mem>>
      %dma_wait3A_950 = tpu.memref_squeeze %dma_wait3A_949 : memref<1x!tpu.dma_semaphore, #tpu.memory_space<semaphore_mem>> -> memref<!tpu.dma_semaphore, #tpu.memory_space<semaphore_mem>>
      %dma_wait3A_951 = arith.constant 0 : i32
      %dma_wait3A_952 = tpu.memref_slice %arg4[%sub3A_939, %multiple_of3A, %dma_wait3A_951] : memref<50x4096x128xf32, #tpu.memory_space<hbm>> -> memref<1x128x128xf32, #tpu.memory_space<hbm>>
      %dma_wait3A_953 = tpu.memref_squeeze %dma_wait3A_952 : memref<1x128x128xf32, #tpu.memory_space<hbm>> -> memref<128x128xf32, #tpu.memory_space<hbm>>
      %dma_wait3A_954 = arith.constant 0 : i32
      %dma_wait3A_955 = arith.constant 0 : i32
      %dma_wait3A_956 = tpu.memref_slice %arg6[%dma_wait3A_940, %dma_wait3A_954, %dma_wait3A_955] : memref<5x128x128xf32, #tpu.memory_space<vmem>> -> memref<1x128x128xf32, #tpu.memory_space<vmem>>
      %dma_wait3A_957 = tpu.memref_squeeze %dma_wait3A_956 : memref<1x128x128xf32, #tpu.memory_space<vmem>> -> memref<128x128xf32, #tpu.memory_space<vmem>>
      tpu.wait_dma2 semaphore(%dma_wait3A_950 : memref<!tpu.dma_semaphore, #tpu.memory_space<semaphore_mem>>) src(%dma_wait3A_957 : memref<128x128xf32, #tpu.memory_space<vmem>>) dst(%dma_wait3A_953 : memref<128x128xf32, #tpu.memory_space<hbm>>)
      %add3A_958 = arith.constant 3 : i32
      %add3A_959 = arith.addi %add3A_905, %add3A_958 : i32
      %dma_start3A_960 = arith.constant 1 : i32
      %dma_start3A_961 = arith.constant 1 : i32
      %dma_start3A_962 = arith.constant 0 : i32
      %dma_start3A_963 = arith.constant 0 : i32
      %dma_start3A_964 = tpu.memref_slice %arg6[%dma_start3A_960, %dma_start3A_962, %dma_start3A_963] : memref<5x128x128xf32, #tpu.memory_space<vmem>> -> memref<1x128x128xf32, #tpu.memory_space<vmem>>
      %dma_start3A_965 = tpu.memref_squeeze %dma_start3A_964 : memref<1x128x128xf32, #tpu.memory_space<vmem>> -> memref<128x128xf32, #tpu.memory_space<vmem>>
      %dma_start3A_966 = arith.constant 0 : i32
      %dma_start3A_967 = tpu.memref_slice %arg5[%add3A_959, %dma_start3A_966] : memref<50x128xi32, #tpu.memory_space<vmem>> -> memref<1x128xi32, #tpu.memory_space<vmem>>
      %dma_start3A_968 = tpu.memref_squeeze %dma_start3A_967 : memref<1x128xi32, #tpu.memory_space<vmem>> -> memref<128xi32, #tpu.memory_space<vmem>>
      %dma_start3A_969 = arith.constant 0 : i32
      %dma_start3A_970 = arith.constant 0 : i32
      %dma_start3A_971 = tpu.memref_slice %arg3[%dma_start3A_969, %dma_start3A_970] : memref<100000x128xf32, #tpu.memory_space<hbm>> -> memref<100000x128xf32, #tpu.memory_space<hbm>>
      %dma_start3A_972 = tpu.memref_slice %arg7[%dma_start3A_961] : memref<5x!tpu.dma_semaphore, #tpu.memory_space<semaphore_mem>> -> memref<1x!tpu.dma_semaphore, #tpu.memory_space<semaphore_mem>>
      %dma_start3A_973 = tpu.memref_squeeze %dma_start3A_972 : memref<1x!tpu.dma_semaphore, #tpu.memory_space<semaphore_mem>> -> memref<!tpu.dma_semaphore, #tpu.memory_space<semaphore_mem>>
      tpu.enqueue_indirect_dma source(%dma_start3A_971 : memref<100000x128xf32, #tpu.memory_space<hbm>>) target(%dma_start3A_965 : memref<128x128xf32, #tpu.memory_space<vmem>>) offsets(%dma_start3A_968 : memref<128xi32, #tpu.memory_space<vmem>>) semaphore(%dma_start3A_973 : memref<!tpu.dma_semaphore, #tpu.memory_space<semaphore_mem>>)
      %mul3A_974 = arith.constant 5 : i32
      %mul3A_975 = arith.muli %scan3A_686, %mul3A_974 : i32
      %add3A_976 = arith.constant 4 : i32
      %add3A_977 = arith.addi %mul3A_975, %add3A_976 : i32
      %dma_wait3A_978 = arith.constant 4 : i32
      %dma_wait3A_979 = arith.constant 4 : i32
      %dma_wait3A_980 = arith.constant 0 : i32
      %dma_wait3A_981 = arith.constant 0 : i32
      %dma_wait3A_982 = tpu.memref_slice %arg6[%dma_wait3A_978, %dma_wait3A_980, %dma_wait3A_981] : memref<5x128x128xf32, #tpu.memory_space<vmem>> -> memref<1x128x128xf32, #tpu.memory_space<vmem>>
      %dma_wait3A_983 = tpu.memref_squeeze %dma_wait3A_982 : memref<1x128x128xf32, #tpu.memory_space<vmem>> -> memref<128x128xf32, #tpu.memory_space<vmem>>
      %dma_wait3A_984 = arith.constant 0 : i32
      %dma_wait3A_985 = tpu.memref_slice %arg5[%add3A_977, %dma_wait3A_984] : memref<50x128xi32, #tpu.memory_space<vmem>> -> memref<1x128xi32, #tpu.memory_space<vmem>>
      %dma_wait3A_986 = tpu.memref_squeeze %dma_wait3A_985 : memref<1x128xi32, #tpu.memory_space<vmem>> -> memref<128xi32, #tpu.memory_space<vmem>>
      %dma_wait3A_987 = arith.constant 0 : i32
      %dma_wait3A_988 = arith.constant 0 : i32
      %dma_wait3A_989 = tpu.memref_slice %arg3[%dma_wait3A_987, %dma_wait3A_988] : memref<100000x128xf32, #tpu.memory_space<hbm>> -> memref<100000x128xf32, #tpu.memory_space<hbm>>
      %dma_wait3A_990 = tpu.memref_slice %arg7[%dma_wait3A_979] : memref<5x!tpu.dma_semaphore, #tpu.memory_space<semaphore_mem>> -> memref<1x!tpu.dma_semaphore, #tpu.memory_space<semaphore_mem>>
      %dma_wait3A_991 = tpu.memref_squeeze %dma_wait3A_990 : memref<1x!tpu.dma_semaphore, #tpu.memory_space<semaphore_mem>> -> memref<!tpu.dma_semaphore, #tpu.memory_space<semaphore_mem>>
      tpu.wait_indirect_dma semaphore(%dma_wait3A_991 : memref<!tpu.dma_semaphore, #tpu.memory_space<semaphore_mem>>) src(%dma_wait3A_989 : memref<100000x128xf32, #tpu.memory_space<hbm>>) dst(%dma_wait3A_983 : memref<128x128xf32, #tpu.memory_space<vmem>>)
      %dma_start3A_992 = arith.constant 4 : i32
      %dma_start3A_993 = arith.constant 4 : i32
      %dma_start3A_994 = arith.constant 0 : i32
      %dma_start3A_995 = arith.constant 0 : i32
      %dma_start3A_996 = tpu.memref_slice %arg6[%dma_start3A_992, %dma_start3A_994, %dma_start3A_995] : memref<5x128x128xf32, #tpu.memory_space<vmem>> -> memref<1x128x128xf32, #tpu.memory_space<vmem>>
      %dma_start3A_997 = tpu.memref_squeeze %dma_start3A_996 : memref<1x128x128xf32, #tpu.memory_space<vmem>> -> memref<128x128xf32, #tpu.memory_space<vmem>>
      %dma_start3A_998 = arith.constant 0 : i32
      %dma_start3A_999 = tpu.memref_slice %arg4[%add3A_977, %multiple_of3A, %dma_start3A_998] : memref<50x4096x128xf32, #tpu.memory_space<hbm>> -> memref<1x128x128xf32, #tpu.memory_space<hbm>>
      %dma_start3A_1000 = tpu.memref_squeeze %dma_start3A_999 : memref<1x128x128xf32, #tpu.memory_space<hbm>> -> memref<128x128xf32, #tpu.memory_space<hbm>>
      %dma_start3A_1001 = tpu.memref_slice %arg8[%dma_start3A_993] : memref<5x!tpu.dma_semaphore, #tpu.memory_space<semaphore_mem>> -> memref<1x!tpu.dma_semaphore, #tpu.memory_space<semaphore_mem>>
      %dma_start3A_1002 = tpu.memref_squeeze %dma_start3A_1001 : memref<1x!tpu.dma_semaphore, #tpu.memory_space<semaphore_mem>> -> memref<!tpu.dma_semaphore, #tpu.memory_space<semaphore_mem>>
      %dma_start3A_1003 = arith.constant 0 : i32
      %dma_start3A_1004 = tpu.memref_slice %arg4[%add3A_977, %multiple_of3A, %dma_start3A_1003] : memref<50x4096x128xf32, #tpu.memory_space<hbm>> -> memref<1x128x128xf32, #tpu.memory_space<hbm>>
      %dma_start3A_1005 = tpu.memref_squeeze %dma_start3A_1004 : memref<1x128x128xf32, #tpu.memory_space<hbm>> -> memref<128x128xf32, #tpu.memory_space<hbm>>
      %dma_start3A_1006 = arith.constant 0 : i32
      %dma_start3A_1007 = arith.constant 0 : i32
      %dma_start3A_1008 = tpu.memref_slice %arg6[%dma_start3A_992, %dma_start3A_1006, %dma_start3A_1007] : memref<5x128x128xf32, #tpu.memory_space<vmem>> -> memref<1x128x128xf32, #tpu.memory_space<vmem>>
      %dma_start3A_1009 = tpu.memref_squeeze %dma_start3A_1008 : memref<1x128x128xf32, #tpu.memory_space<vmem>> -> memref<128x128xf32, #tpu.memory_space<vmem>>
      tpu.enqueue_dma source(%dma_start3A_1009 : memref<128x128xf32, #tpu.memory_space<vmem>>) target(%dma_start3A_1005 : memref<128x128xf32, #tpu.memory_space<hbm>>) target_semaphore(%dma_start3A_1002 : memref<!tpu.dma_semaphore, #tpu.memory_space<semaphore_mem>>)
      %sub3A_1010 = arith.constant 2 : i32
      %sub3A_1011 = arith.subi %add3A_977, %sub3A_1010 : i32
      %dma_wait3A_1012 = arith.constant 2 : i32
      %dma_wait3A_1013 = arith.constant 2 : i32
      %dma_wait3A_1014 = arith.constant 0 : i32
      %dma_wait3A_1015 = arith.constant 0 : i32
      %dma_wait3A_1016 = tpu.memref_slice %arg6[%dma_wait3A_1012, %dma_wait3A_1014, %dma_wait3A_1015] : memref<5x128x128xf32, #tpu.memory_space<vmem>> -> memref<1x128x128xf32, #tpu.memory_space<vmem>>
      %dma_wait3A_1017 = tpu.memref_squeeze %dma_wait3A_1016 : memref<1x128x128xf32, #tpu.memory_space<vmem>> -> memref<128x128xf32, #tpu.memory_space<vmem>>
      %dma_wait3A_1018 = arith.constant 0 : i32
      %dma_wait3A_1019 = tpu.memref_slice %arg4[%sub3A_1011, %multiple_of3A, %dma_wait3A_1018] : memref<50x4096x128xf32, #tpu.memory_space<hbm>> -> memref<1x128x128xf32, #tpu.memory_space<hbm>>
      %dma_wait3A_1020 = tpu.memref_squeeze %dma_wait3A_1019 : memref<1x128x128xf32, #tpu.memory_space<hbm>> -> memref<128x128xf32, #tpu.memory_space<hbm>>
      %dma_wait3A_1021 = tpu.memref_slice %arg8[%dma_wait3A_1013] : memref<5x!tpu.dma_semaphore, #tpu.memory_space<semaphore_mem>> -> memref<1x!tpu.dma_semaphore, #tpu.memory_space<semaphore_mem>>
      %dma_wait3A_1022 = tpu.memref_squeeze %dma_wait3A_1021 : memref<1x!tpu.dma_semaphore, #tpu.memory_space<semaphore_mem>> -> memref<!tpu.dma_semaphore, #tpu.memory_space<semaphore_mem>>
      %dma_wait3A_1023 = arith.constant 0 : i32
      %dma_wait3A_1024 = tpu.memref_slice %arg4[%sub3A_1011, %multiple_of3A, %dma_wait3A_1023] : memref<50x4096x128xf32, #tpu.memory_space<hbm>> -> memref<1x128x128xf32, #tpu.memory_space<hbm>>
      %dma_wait3A_1025 = tpu.memref_squeeze %dma_wait3A_1024 : memref<1x128x128xf32, #tpu.memory_space<hbm>> -> memref<128x128xf32, #tpu.memory_space<hbm>>
      %dma_wait3A_1026 = arith.constant 0 : i32
      %dma_wait3A_1027 = arith.constant 0 : i32
      %dma_wait3A_1028 = tpu.memref_slice %arg6[%dma_wait3A_1012, %dma_wait3A_1026, %dma_wait3A_1027] : memref<5x128x128xf32, #tpu.memory_space<vmem>> -> memref<1x128x128xf32, #tpu.memory_space<vmem>>
      %dma_wait3A_1029 = tpu.memref_squeeze %dma_wait3A_1028 : memref<1x128x128xf32, #tpu.memory_space<vmem>> -> memref<128x128xf32, #tpu.memory_space<vmem>>
      tpu.wait_dma2 semaphore(%dma_wait3A_1022 : memref<!tpu.dma_semaphore, #tpu.memory_space<semaphore_mem>>) src(%dma_wait3A_1029 : memref<128x128xf32, #tpu.memory_space<vmem>>) dst(%dma_wait3A_1025 : memref<128x128xf32, #tpu.memory_space<hbm>>)
      %add3A_1030 = arith.constant 3 : i32
      %add3A_1031 = arith.addi %add3A_977, %add3A_1030 : i32
      %dma_start3A_1032 = arith.constant 2 : i32
      %dma_start3A_1033 = arith.constant 2 : i32
      %dma_start3A_1034 = arith.constant 0 : i32
      %dma_start3A_1035 = arith.constant 0 : i32
      %dma_start3A_1036 = tpu.memref_slice %arg6[%dma_start3A_1032, %dma_start3A_1034, %dma_start3A_1035] : memref<5x128x128xf32, #tpu.memory_space<vmem>> -> memref<1x128x128xf32, #tpu.memory_space<vmem>>
      %dma_start3A_1037 = tpu.memref_squeeze %dma_start3A_1036 : memref<1x128x128xf32, #tpu.memory_space<vmem>> -> memref<128x128xf32, #tpu.memory_space<vmem>>
      %dma_start3A_1038 = arith.constant 0 : i32
      %dma_start3A_1039 = tpu.memref_slice %arg5[%add3A_1031, %dma_start3A_1038] : memref<50x128xi32, #tpu.memory_space<vmem>> -> memref<1x128xi32, #tpu.memory_space<vmem>>
      %dma_start3A_1040 = tpu.memref_squeeze %dma_start3A_1039 : memref<1x128xi32, #tpu.memory_space<vmem>> -> memref<128xi32, #tpu.memory_space<vmem>>
      %dma_start3A_1041 = arith.constant 0 : i32
      %dma_start3A_1042 = arith.constant 0 : i32
      %dma_start3A_1043 = tpu.memref_slice %arg3[%dma_start3A_1041, %dma_start3A_1042] : memref<100000x128xf32, #tpu.memory_space<hbm>> -> memref<100000x128xf32, #tpu.memory_space<hbm>>
      %dma_start3A_1044 = tpu.memref_slice %arg7[%dma_start3A_1033] : memref<5x!tpu.dma_semaphore, #tpu.memory_space<semaphore_mem>> -> memref<1x!tpu.dma_semaphore, #tpu.memory_space<semaphore_mem>>
      %dma_start3A_1045 = tpu.memref_squeeze %dma_start3A_1044 : memref<1x!tpu.dma_semaphore, #tpu.memory_space<semaphore_mem>> -> memref<!tpu.dma_semaphore, #tpu.memory_space<semaphore_mem>>
      tpu.enqueue_indirect_dma source(%dma_start3A_1043 : memref<100000x128xf32, #tpu.memory_space<hbm>>) target(%dma_start3A_1037 : memref<128x128xf32, #tpu.memory_space<vmem>>) offsets(%dma_start3A_1040 : memref<128xi32, #tpu.memory_space<vmem>>) semaphore(%dma_start3A_1045 : memref<!tpu.dma_semaphore, #tpu.memory_space<semaphore_mem>>)
    }
    %scan3A_352 = arith.constant 8 : i32
    %dma_wait3A_353 = arith.constant 45 : i32
    %dma_wait3A_354 = arith.constant 0 : i32
    %dma_wait3A_355 = arith.constant 0 : i32
    %dma_wait3A_356 = arith.constant 0 : i32
    %dma_wait3A_357 = arith.constant 0 : i32
    %dma_wait3A_358 = tpu.memref_slice %arg6[%dma_wait3A_354, %dma_wait3A_356, %dma_wait3A_357] : memref<5x128x128xf32, #tpu.memory_space<vmem>> -> memref<1x128x128xf32, #tpu.memory_space<vmem>>
    %dma_wait3A_359 = tpu.memref_squeeze %dma_wait3A_358 : memref<1x128x128xf32, #tpu.memory_space<vmem>> -> memref<128x128xf32, #tpu.memory_space<vmem>>
    %dma_wait3A_360 = arith.constant 0 : i32
    %dma_wait3A_361 = tpu.memref_slice %arg5[%dma_wait3A_353, %dma_wait3A_360] : memref<50x128xi32, #tpu.memory_space<vmem>> -> memref<1x128xi32, #tpu.memory_space<vmem>>
    %dma_wait3A_362 = tpu.memref_squeeze %dma_wait3A_361 : memref<1x128xi32, #tpu.memory_space<vmem>> -> memref<128xi32, #tpu.memory_space<vmem>>
    %dma_wait3A_363 = arith.constant 0 : i32
    %dma_wait3A_364 = arith.constant 0 : i32
    %dma_wait3A_365 = tpu.memref_slice %arg3[%dma_wait3A_363, %dma_wait3A_364] : memref<100000x128xf32, #tpu.memory_space<hbm>> -> memref<100000x128xf32, #tpu.memory_space<hbm>>
    %dma_wait3A_366 = tpu.memref_slice %arg7[%dma_wait3A_355] : memref<5x!tpu.dma_semaphore, #tpu.memory_space<semaphore_mem>> -> memref<1x!tpu.dma_semaphore, #tpu.memory_space<semaphore_mem>>
    %dma_wait3A_367 = tpu.memref_squeeze %dma_wait3A_366 : memref<1x!tpu.dma_semaphore, #tpu.memory_space<semaphore_mem>> -> memref<!tpu.dma_semaphore, #tpu.memory_space<semaphore_mem>>
    tpu.wait_indirect_dma semaphore(%dma_wait3A_367 : memref<!tpu.dma_semaphore, #tpu.memory_space<semaphore_mem>>) src(%dma_wait3A_365 : memref<100000x128xf32, #tpu.memory_space<hbm>>) dst(%dma_wait3A_359 : memref<128x128xf32, #tpu.memory_space<vmem>>)
    %dma_start3A_368 = arith.constant 0 : i32
    %dma_start3A_369 = arith.constant 45 : i32
    %dma_start3A_370 = arith.constant 0 : i32
    %dma_start3A_371 = arith.constant 0 : i32
    %dma_start3A_372 = arith.constant 0 : i32
    %dma_start3A_373 = tpu.memref_slice %arg6[%dma_start3A_368, %dma_start3A_371, %dma_start3A_372] : memref<5x128x128xf32, #tpu.memory_space<vmem>> -> memref<1x128x128xf32, #tpu.memory_space<vmem>>
    %dma_start3A_374 = tpu.memref_squeeze %dma_start3A_373 : memref<1x128x128xf32, #tpu.memory_space<vmem>> -> memref<128x128xf32, #tpu.memory_space<vmem>>
    %dma_start3A_375 = arith.constant 0 : i32
    %dma_start3A_376 = tpu.memref_slice %arg4[%dma_start3A_369, %multiple_of3A, %dma_start3A_375] : memref<50x4096x128xf32, #tpu.memory_space<hbm>> -> memref<1x128x128xf32, #tpu.memory_space<hbm>>
    %dma_start3A_377 = tpu.memref_squeeze %dma_start3A_376 : memref<1x128x128xf32, #tpu.memory_space<hbm>> -> memref<128x128xf32, #tpu.memory_space<hbm>>
    %dma_start3A_378 = tpu.memref_slice %arg8[%dma_start3A_370] : memref<5x!tpu.dma_semaphore, #tpu.memory_space<semaphore_mem>> -> memref<1x!tpu.dma_semaphore, #tpu.memory_space<semaphore_mem>>
    %dma_start3A_379 = tpu.memref_squeeze %dma_start3A_378 : memref<1x!tpu.dma_semaphore, #tpu.memory_space<semaphore_mem>> -> memref<!tpu.dma_semaphore, #tpu.memory_space<semaphore_mem>>
    %dma_start3A_380 = arith.constant 0 : i32
    %dma_start3A_381 = tpu.memref_slice %arg4[%dma_start3A_369, %multiple_of3A, %dma_start3A_380] : memref<50x4096x128xf32, #tpu.memory_space<hbm>> -> memref<1x128x128xf32, #tpu.memory_space<hbm>>
    %dma_start3A_382 = tpu.memref_squeeze %dma_start3A_381 : memref<1x128x128xf32, #tpu.memory_space<hbm>> -> memref<128x128xf32, #tpu.memory_space<hbm>>
    %dma_start3A_383 = arith.constant 0 : i32
    %dma_start3A_384 = arith.constant 0 : i32
    %dma_start3A_385 = tpu.memref_slice %arg6[%dma_start3A_368, %dma_start3A_383, %dma_start3A_384] : memref<5x128x128xf32, #tpu.memory_space<vmem>> -> memref<1x128x128xf32, #tpu.memory_space<vmem>>
    %dma_start3A_386 = tpu.memref_squeeze %dma_start3A_385 : memref<1x128x128xf32, #tpu.memory_space<vmem>> -> memref<128x128xf32, #tpu.memory_space<vmem>>
    tpu.enqueue_dma source(%dma_start3A_386 : memref<128x128xf32, #tpu.memory_space<vmem>>) target(%dma_start3A_382 : memref<128x128xf32, #tpu.memory_space<hbm>>) target_semaphore(%dma_start3A_379 : memref<!tpu.dma_semaphore, #tpu.memory_space<semaphore_mem>>)
    %dma_wait3A_387 = arith.constant 3 : i32
    %dma_wait3A_388 = arith.constant 43 : i32
    %dma_wait3A_389 = arith.constant 3 : i32
    %dma_wait3A_390 = arith.constant 0 : i32
    %dma_wait3A_391 = arith.constant 0 : i32
    %dma_wait3A_392 = tpu.memref_slice %arg6[%dma_wait3A_387, %dma_wait3A_390, %dma_wait3A_391] : memref<5x128x128xf32, #tpu.memory_space<vmem>> -> memref<1x128x128xf32, #tpu.memory_space<vmem>>
    %dma_wait3A_393 = tpu.memref_squeeze %dma_wait3A_392 : memref<1x128x128xf32, #tpu.memory_space<vmem>> -> memref<128x128xf32, #tpu.memory_space<vmem>>
    %dma_wait3A_394 = arith.constant 0 : i32
    %dma_wait3A_395 = tpu.memref_slice %arg4[%dma_wait3A_388, %multiple_of3A, %dma_wait3A_394] : memref<50x4096x128xf32, #tpu.memory_space<hbm>> -> memref<1x128x128xf32, #tpu.memory_space<hbm>>
    %dma_wait3A_396 = tpu.memref_squeeze %dma_wait3A_395 : memref<1x128x128xf32, #tpu.memory_space<hbm>> -> memref<128x128xf32, #tpu.memory_space<hbm>>
    %dma_wait3A_397 = tpu.memref_slice %arg8[%dma_wait3A_389] : memref<5x!tpu.dma_semaphore, #tpu.memory_space<semaphore_mem>> -> memref<1x!tpu.dma_semaphore, #tpu.memory_space<semaphore_mem>>
    %dma_wait3A_398 = tpu.memref_squeeze %dma_wait3A_397 : memref<1x!tpu.dma_semaphore, #tpu.memory_space<semaphore_mem>> -> memref<!tpu.dma_semaphore, #tpu.memory_space<semaphore_mem>>
    %dma_wait3A_399 = arith.constant 0 : i32
    %dma_wait3A_400 = tpu.memref_slice %arg4[%dma_wait3A_388, %multiple_of3A, %dma_wait3A_399] : memref<50x4096x128xf32, #tpu.memory_space<hbm>> -> memref<1x128x128xf32, #tpu.memory_space<hbm>>
    %dma_wait3A_401 = tpu.memref_squeeze %dma_wait3A_400 : memref<1x128x128xf32, #tpu.memory_space<hbm>> -> memref<128x128xf32, #tpu.memory_space<hbm>>
    %dma_wait3A_402 = arith.constant 0 : i32
    %dma_wait3A_403 = arith.constant 0 : i32
    %dma_wait3A_404 = tpu.memref_slice %arg6[%dma_wait3A_387, %dma_wait3A_402, %dma_wait3A_403] : memref<5x128x128xf32, #tpu.memory_space<vmem>> -> memref<1x128x128xf32, #tpu.memory_space<vmem>>
    %dma_wait3A_405 = tpu.memref_squeeze %dma_wait3A_404 : memref<1x128x128xf32, #tpu.memory_space<vmem>> -> memref<128x128xf32, #tpu.memory_space<vmem>>
    tpu.wait_dma2 semaphore(%dma_wait3A_398 : memref<!tpu.dma_semaphore, #tpu.memory_space<semaphore_mem>>) src(%dma_wait3A_405 : memref<128x128xf32, #tpu.memory_space<vmem>>) dst(%dma_wait3A_401 : memref<128x128xf32, #tpu.memory_space<hbm>>)
    %dma_start3A_406 = arith.constant 48 : i32
    %dma_start3A_407 = arith.constant 3 : i32
    %dma_start3A_408 = arith.constant 3 : i32
    %dma_start3A_409 = arith.constant 0 : i32
    %dma_start3A_410 = arith.constant 0 : i32
    %dma_start3A_411 = tpu.memref_slice %arg6[%dma_start3A_407, %dma_start3A_409, %dma_start3A_410] : memref<5x128x128xf32, #tpu.memory_space<vmem>> -> memref<1x128x128xf32, #tpu.memory_space<vmem>>
    %dma_start3A_412 = tpu.memref_squeeze %dma_start3A_411 : memref<1x128x128xf32, #tpu.memory_space<vmem>> -> memref<128x128xf32, #tpu.memory_space<vmem>>
    %dma_start3A_413 = arith.constant 0 : i32
    %dma_start3A_414 = tpu.memref_slice %arg5[%dma_start3A_406, %dma_start3A_413] : memref<50x128xi32, #tpu.memory_space<vmem>> -> memref<1x128xi32, #tpu.memory_space<vmem>>
    %dma_start3A_415 = tpu.memref_squeeze %dma_start3A_414 : memref<1x128xi32, #tpu.memory_space<vmem>> -> memref<128xi32, #tpu.memory_space<vmem>>
    %dma_start3A_416 = arith.constant 0 : i32
    %dma_start3A_417 = arith.constant 0 : i32
    %dma_start3A_418 = tpu.memref_slice %arg3[%dma_start3A_416, %dma_start3A_417] : memref<100000x128xf32, #tpu.memory_space<hbm>> -> memref<100000x128xf32, #tpu.memory_space<hbm>>
    %dma_start3A_419 = tpu.memref_slice %arg7[%dma_start3A_408] : memref<5x!tpu.dma_semaphore, #tpu.memory_space<semaphore_mem>> -> memref<1x!tpu.dma_semaphore, #tpu.memory_space<semaphore_mem>>
    %dma_start3A_420 = tpu.memref_squeeze %dma_start3A_419 : memref<1x!tpu.dma_semaphore, #tpu.memory_space<semaphore_mem>> -> memref<!tpu.dma_semaphore, #tpu.memory_space<semaphore_mem>>
    tpu.enqueue_indirect_dma source(%dma_start3A_418 : memref<100000x128xf32, #tpu.memory_space<hbm>>) target(%dma_start3A_412 : memref<128x128xf32, #tpu.memory_space<vmem>>) offsets(%dma_start3A_415 : memref<128xi32, #tpu.memory_space<vmem>>) semaphore(%dma_start3A_420 : memref<!tpu.dma_semaphore, #tpu.memory_space<semaphore_mem>>)
    %dma_wait3A_421 = arith.constant 46 : i32
    %dma_wait3A_422 = arith.constant 1 : i32
    %dma_wait3A_423 = arith.constant 1 : i32
    %dma_wait3A_424 = arith.constant 0 : i32
    %dma_wait3A_425 = arith.constant 0 : i32
    %dma_wait3A_426 = tpu.memref_slice %arg6[%dma_wait3A_422, %dma_wait3A_424, %dma_wait3A_425] : memref<5x128x128xf32, #tpu.memory_space<vmem>> -> memref<1x128x128xf32, #tpu.memory_space<vmem>>
    %dma_wait3A_427 = tpu.memref_squeeze %dma_wait3A_426 : memref<1x128x128xf32, #tpu.memory_space<vmem>> -> memref<128x128xf32, #tpu.memory_space<vmem>>
    %dma_wait3A_428 = arith.constant 0 : i32
    %dma_wait3A_429 = tpu.memref_slice %arg5[%dma_wait3A_421, %dma_wait3A_428] : memref<50x128xi32, #tpu.memory_space<vmem>> -> memref<1x128xi32, #tpu.memory_space<vmem>>
    %dma_wait3A_430 = tpu.memref_squeeze %dma_wait3A_429 : memref<1x128xi32, #tpu.memory_space<vmem>> -> memref<128xi32, #tpu.memory_space<vmem>>
    %dma_wait3A_431 = arith.constant 0 : i32
    %dma_wait3A_432 = arith.constant 0 : i32
    %dma_wait3A_433 = tpu.memref_slice %arg3[%dma_wait3A_431, %dma_wait3A_432] : memref<100000x128xf32, #tpu.memory_space<hbm>> -> memref<100000x128xf32, #tpu.memory_space<hbm>>
    %dma_wait3A_434 = tpu.memref_slice %arg7[%dma_wait3A_423] : memref<5x!tpu.dma_semaphore, #tpu.memory_space<semaphore_mem>> -> memref<1x!tpu.dma_semaphore, #tpu.memory_space<semaphore_mem>>
    %dma_wait3A_435 = tpu.memref_squeeze %dma_wait3A_434 : memref<1x!tpu.dma_semaphore, #tpu.memory_space<semaphore_mem>> -> memref<!tpu.dma_semaphore, #tpu.memory_space<semaphore_mem>>
    tpu.wait_indirect_dma semaphore(%dma_wait3A_435 : memref<!tpu.dma_semaphore, #tpu.memory_space<semaphore_mem>>) src(%dma_wait3A_433 : memref<100000x128xf32, #tpu.memory_space<hbm>>) dst(%dma_wait3A_427 : memref<128x128xf32, #tpu.memory_space<vmem>>)
    %dma_start3A_436 = arith.constant 1 : i32
    %dma_start3A_437 = arith.constant 46 : i32
    %dma_start3A_438 = arith.constant 1 : i32
    %dma_start3A_439 = arith.constant 0 : i32
    %dma_start3A_440 = arith.constant 0 : i32
    %dma_start3A_441 = tpu.memref_slice %arg6[%dma_start3A_436, %dma_start3A_439, %dma_start3A_440] : memref<5x128x128xf32, #tpu.memory_space<vmem>> -> memref<1x128x128xf32, #tpu.memory_space<vmem>>
    %dma_start3A_442 = tpu.memref_squeeze %dma_start3A_441 : memref<1x128x128xf32, #tpu.memory_space<vmem>> -> memref<128x128xf32, #tpu.memory_space<vmem>>
    %dma_start3A_443 = arith.constant 0 : i32
    %dma_start3A_444 = tpu.memref_slice %arg4[%dma_start3A_437, %multiple_of3A, %dma_start3A_443] : memref<50x4096x128xf32, #tpu.memory_space<hbm>> -> memref<1x128x128xf32, #tpu.memory_space<hbm>>
    %dma_start3A_445 = tpu.memref_squeeze %dma_start3A_444 : memref<1x128x128xf32, #tpu.memory_space<hbm>> -> memref<128x128xf32, #tpu.memory_space<hbm>>
    %dma_start3A_446 = tpu.memref_slice %arg8[%dma_start3A_438] : memref<5x!tpu.dma_semaphore, #tpu.memory_space<semaphore_mem>> -> memref<1x!tpu.dma_semaphore, #tpu.memory_space<semaphore_mem>>
    %dma_start3A_447 = tpu.memref_squeeze %dma_start3A_446 : memref<1x!tpu.dma_semaphore, #tpu.memory_space<semaphore_mem>> -> memref<!tpu.dma_semaphore, #tpu.memory_space<semaphore_mem>>
    %dma_start3A_448 = arith.constant 0 : i32
    %dma_start3A_449 = tpu.memref_slice %arg4[%dma_start3A_437, %multiple_of3A, %dma_start3A_448] : memref<50x4096x128xf32, #tpu.memory_space<hbm>> -> memref<1x128x128xf32, #tpu.memory_space<hbm>>
    %dma_start3A_450 = tpu.memref_squeeze %dma_start3A_449 : memref<1x128x128xf32, #tpu.memory_space<hbm>> -> memref<128x128xf32, #tpu.memory_space<hbm>>
    %dma_start3A_451 = arith.constant 0 : i32
    %dma_start3A_452 = arith.constant 0 : i32
    %dma_start3A_453 = tpu.memref_slice %arg6[%dma_start3A_436, %dma_start3A_451, %dma_start3A_452] : memref<5x128x128xf32, #tpu.memory_space<vmem>> -> memref<1x128x128xf32, #tpu.memory_space<vmem>>
    %dma_start3A_454 = tpu.memref_squeeze %dma_start3A_453 : memref<1x128x128xf32, #tpu.memory_space<vmem>> -> memref<128x128xf32, #tpu.memory_space<vmem>>
    tpu.enqueue_dma source(%dma_start3A_454 : memref<128x128xf32, #tpu.memory_space<vmem>>) target(%dma_start3A_450 : memref<128x128xf32, #tpu.memory_space<hbm>>) target_semaphore(%dma_start3A_447 : memref<!tpu.dma_semaphore, #tpu.memory_space<semaphore_mem>>)
    %dma_wait3A_455 = arith.constant 4 : i32
    %dma_wait3A_456 = arith.constant 44 : i32
    %dma_wait3A_457 = arith.constant 4 : i32
    %dma_wait3A_458 = arith.constant 0 : i32
    %dma_wait3A_459 = arith.constant 0 : i32
    %dma_wait3A_460 = tpu.memref_slice %arg6[%dma_wait3A_455, %dma_wait3A_458, %dma_wait3A_459] : memref<5x128x128xf32, #tpu.memory_space<vmem>> -> memref<1x128x128xf32, #tpu.memory_space<vmem>>
    %dma_wait3A_461 = tpu.memref_squeeze %dma_wait3A_460 : memref<1x128x128xf32, #tpu.memory_space<vmem>> -> memref<128x128xf32, #tpu.memory_space<vmem>>
    %dma_wait3A_462 = arith.constant 0 : i32
    %dma_wait3A_463 = tpu.memref_slice %arg4[%dma_wait3A_456, %multiple_of3A, %dma_wait3A_462] : memref<50x4096x128xf32, #tpu.memory_space<hbm>> -> memref<1x128x128xf32, #tpu.memory_space<hbm>>
    %dma_wait3A_464 = tpu.memref_squeeze %dma_wait3A_463 : memref<1x128x128xf32, #tpu.memory_space<hbm>> -> memref<128x128xf32, #tpu.memory_space<hbm>>
    %dma_wait3A_465 = tpu.memref_slice %arg8[%dma_wait3A_457] : memref<5x!tpu.dma_semaphore, #tpu.memory_space<semaphore_mem>> -> memref<1x!tpu.dma_semaphore, #tpu.memory_space<semaphore_mem>>
    %dma_wait3A_466 = tpu.memref_squeeze %dma_wait3A_465 : memref<1x!tpu.dma_semaphore, #tpu.memory_space<semaphore_mem>> -> memref<!tpu.dma_semaphore, #tpu.memory_space<semaphore_mem>>
    %dma_wait3A_467 = arith.constant 0 : i32
    %dma_wait3A_468 = tpu.memref_slice %arg4[%dma_wait3A_456, %multiple_of3A, %dma_wait3A_467] : memref<50x4096x128xf32, #tpu.memory_space<hbm>> -> memref<1x128x128xf32, #tpu.memory_space<hbm>>
    %dma_wait3A_469 = tpu.memref_squeeze %dma_wait3A_468 : memref<1x128x128xf32, #tpu.memory_space<hbm>> -> memref<128x128xf32, #tpu.memory_space<hbm>>
    %dma_wait3A_470 = arith.constant 0 : i32
    %dma_wait3A_471 = arith.constant 0 : i32
    %dma_wait3A_472 = tpu.memref_slice %arg6[%dma_wait3A_455, %dma_wait3A_470, %dma_wait3A_471] : memref<5x128x128xf32, #tpu.memory_space<vmem>> -> memref<1x128x128xf32, #tpu.memory_space<vmem>>
    %dma_wait3A_473 = tpu.memref_squeeze %dma_wait3A_472 : memref<1x128x128xf32, #tpu.memory_space<vmem>> -> memref<128x128xf32, #tpu.memory_space<vmem>>
    tpu.wait_dma2 semaphore(%dma_wait3A_466 : memref<!tpu.dma_semaphore, #tpu.memory_space<semaphore_mem>>) src(%dma_wait3A_473 : memref<128x128xf32, #tpu.memory_space<vmem>>) dst(%dma_wait3A_469 : memref<128x128xf32, #tpu.memory_space<hbm>>)
    %dma_start3A_474 = arith.constant 49 : i32
    %dma_start3A_475 = arith.constant 4 : i32
    %dma_start3A_476 = arith.constant 4 : i32
    %dma_start3A_477 = arith.constant 0 : i32
    %dma_start3A_478 = arith.constant 0 : i32
    %dma_start3A_479 = tpu.memref_slice %arg6[%dma_start3A_475, %dma_start3A_477, %dma_start3A_478] : memref<5x128x128xf32, #tpu.memory_space<vmem>> -> memref<1x128x128xf32, #tpu.memory_space<vmem>>
    %dma_start3A_480 = tpu.memref_squeeze %dma_start3A_479 : memref<1x128x128xf32, #tpu.memory_space<vmem>> -> memref<128x128xf32, #tpu.memory_space<vmem>>
    %dma_start3A_481 = arith.constant 0 : i32
    %dma_start3A_482 = tpu.memref_slice %arg5[%dma_start3A_474, %dma_start3A_481] : memref<50x128xi32, #tpu.memory_space<vmem>> -> memref<1x128xi32, #tpu.memory_space<vmem>>
    %dma_start3A_483 = tpu.memref_squeeze %dma_start3A_482 : memref<1x128xi32, #tpu.memory_space<vmem>> -> memref<128xi32, #tpu.memory_space<vmem>>
    %dma_start3A_484 = arith.constant 0 : i32
    %dma_start3A_485 = arith.constant 0 : i32
    %dma_start3A_486 = tpu.memref_slice %arg3[%dma_start3A_484, %dma_start3A_485] : memref<100000x128xf32, #tpu.memory_space<hbm>> -> memref<100000x128xf32, #tpu.memory_space<hbm>>
    %dma_start3A_487 = tpu.memref_slice %arg7[%dma_start3A_476] : memref<5x!tpu.dma_semaphore, #tpu.memory_space<semaphore_mem>> -> memref<1x!tpu.dma_semaphore, #tpu.memory_space<semaphore_mem>>
    %dma_start3A_488 = tpu.memref_squeeze %dma_start3A_487 : memref<1x!tpu.dma_semaphore, #tpu.memory_space<semaphore_mem>> -> memref<!tpu.dma_semaphore, #tpu.memory_space<semaphore_mem>>
    tpu.enqueue_indirect_dma source(%dma_start3A_486 : memref<100000x128xf32, #tpu.memory_space<hbm>>) target(%dma_start3A_480 : memref<128x128xf32, #tpu.memory_space<vmem>>) offsets(%dma_start3A_483 : memref<128xi32, #tpu.memory_space<vmem>>) semaphore(%dma_start3A_488 : memref<!tpu.dma_semaphore, #tpu.memory_space<semaphore_mem>>)
    %dma_wait3A_489 = arith.constant 47 : i32
    %dma_wait3A_490 = arith.constant 2 : i32
    %dma_wait3A_491 = arith.constant 2 : i32
    %dma_wait3A_492 = arith.constant 0 : i32
    %dma_wait3A_493 = arith.constant 0 : i32
    %dma_wait3A_494 = tpu.memref_slice %arg6[%dma_wait3A_490, %dma_wait3A_492, %dma_wait3A_493] : memref<5x128x128xf32, #tpu.memory_space<vmem>> -> memref<1x128x128xf32, #tpu.memory_space<vmem>>
    %dma_wait3A_495 = tpu.memref_squeeze %dma_wait3A_494 : memref<1x128x128xf32, #tpu.memory_space<vmem>> -> memref<128x128xf32, #tpu.memory_space<vmem>>
    %dma_wait3A_496 = arith.constant 0 : i32
    %dma_wait3A_497 = tpu.memref_slice %arg5[%dma_wait3A_489, %dma_wait3A_496] : memref<50x128xi32, #tpu.memory_space<vmem>> -> memref<1x128xi32, #tpu.memory_space<vmem>>
    %dma_wait3A_498 = tpu.memref_squeeze %dma_wait3A_497 : memref<1x128xi32, #tpu.memory_space<vmem>> -> memref<128xi32, #tpu.memory_space<vmem>>
    %dma_wait3A_499 = arith.constant 0 : i32
    %dma_wait3A_500 = arith.constant 0 : i32
    %dma_wait3A_501 = tpu.memref_slice %arg3[%dma_wait3A_499, %dma_wait3A_500] : memref<100000x128xf32, #tpu.memory_space<hbm>> -> memref<100000x128xf32, #tpu.memory_space<hbm>>
    %dma_wait3A_502 = tpu.memref_slice %arg7[%dma_wait3A_491] : memref<5x!tpu.dma_semaphore, #tpu.memory_space<semaphore_mem>> -> memref<1x!tpu.dma_semaphore, #tpu.memory_space<semaphore_mem>>
    %dma_wait3A_503 = tpu.memref_squeeze %dma_wait3A_502 : memref<1x!tpu.dma_semaphore, #tpu.memory_space<semaphore_mem>> -> memref<!tpu.dma_semaphore, #tpu.memory_space<semaphore_mem>>
    tpu.wait_indirect_dma semaphore(%dma_wait3A_503 : memref<!tpu.dma_semaphore, #tpu.memory_space<semaphore_mem>>) src(%dma_wait3A_501 : memref<100000x128xf32, #tpu.memory_space<hbm>>) dst(%dma_wait3A_495 : memref<128x128xf32, #tpu.memory_space<vmem>>)
    %dma_start3A_504 = arith.constant 2 : i32
    %dma_start3A_505 = arith.constant 47 : i32
    %dma_start3A_506 = arith.constant 2 : i32
    %dma_start3A_507 = arith.constant 0 : i32
    %dma_start3A_508 = arith.constant 0 : i32
    %dma_start3A_509 = tpu.memref_slice %arg6[%dma_start3A_504, %dma_start3A_507, %dma_start3A_508] : memref<5x128x128xf32, #tpu.memory_space<vmem>> -> memref<1x128x128xf32, #tpu.memory_space<vmem>>
    %dma_start3A_510 = tpu.memref_squeeze %dma_start3A_509 : memref<1x128x128xf32, #tpu.memory_space<vmem>> -> memref<128x128xf32, #tpu.memory_space<vmem>>
    %dma_start3A_511 = arith.constant 0 : i32
    %dma_start3A_512 = tpu.memref_slice %arg4[%dma_start3A_505, %multiple_of3A, %dma_start3A_511] : memref<50x4096x128xf32, #tpu.memory_space<hbm>> -> memref<1x128x128xf32, #tpu.memory_space<hbm>>
    %dma_start3A_513 = tpu.memref_squeeze %dma_start3A_512 : memref<1x128x128xf32, #tpu.memory_space<hbm>> -> memref<128x128xf32, #tpu.memory_space<hbm>>
    %dma_start3A_514 = tpu.memref_slice %arg8[%dma_start3A_506] : memref<5x!tpu.dma_semaphore, #tpu.memory_space<semaphore_mem>> -> memref<1x!tpu.dma_semaphore, #tpu.memory_space<semaphore_mem>>
    %dma_start3A_515 = tpu.memref_squeeze %dma_start3A_514 : memref<1x!tpu.dma_semaphore, #tpu.memory_space<semaphore_mem>> -> memref<!tpu.dma_semaphore, #tpu.memory_space<semaphore_mem>>
    %dma_start3A_516 = arith.constant 0 : i32
    %dma_start3A_517 = tpu.memref_slice %arg4[%dma_start3A_505, %multiple_of3A, %dma_start3A_516] : memref<50x4096x128xf32, #tpu.memory_space<hbm>> -> memref<1x128x128xf32, #tpu.memory_space<hbm>>
    %dma_start3A_518 = tpu.memref_squeeze %dma_start3A_517 : memref<1x128x128xf32, #tpu.memory_space<hbm>> -> memref<128x128xf32, #tpu.memory_space<hbm>>
    %dma_start3A_519 = arith.constant 0 : i32
    %dma_start3A_520 = arith.constant 0 : i32
    %dma_start3A_521 = tpu.memref_slice %arg6[%dma_start3A_504, %dma_start3A_519, %dma_start3A_520] : memref<5x128x128xf32, #tpu.memory_space<vmem>> -> memref<1x128x128xf32, #tpu.memory_space<vmem>>
    %dma_start3A_522 = tpu.memref_squeeze %dma_start3A_521 : memref<1x128x128xf32, #tpu.memory_space<vmem>> -> memref<128x128xf32, #tpu.memory_space<vmem>>
    tpu.enqueue_dma source(%dma_start3A_522 : memref<128x128xf32, #tpu.memory_space<vmem>>) target(%dma_start3A_518 : memref<128x128xf32, #tpu.memory_space<hbm>>) target_semaphore(%dma_start3A_515 : memref<!tpu.dma_semaphore, #tpu.memory_space<semaphore_mem>>)
    %dma_wait3A_523 = arith.constant 48 : i32
    %dma_wait3A_524 = arith.constant 3 : i32
    %dma_wait3A_525 = arith.constant 3 : i32
    %dma_wait3A_526 = arith.constant 0 : i32
    %dma_wait3A_527 = arith.constant 0 : i32
    %dma_wait3A_528 = tpu.memref_slice %arg6[%dma_wait3A_524, %dma_wait3A_526, %dma_wait3A_527] : memref<5x128x128xf32, #tpu.memory_space<vmem>> -> memref<1x128x128xf32, #tpu.memory_space<vmem>>
    %dma_wait3A_529 = tpu.memref_squeeze %dma_wait3A_528 : memref<1x128x128xf32, #tpu.memory_space<vmem>> -> memref<128x128xf32, #tpu.memory_space<vmem>>
    %dma_wait3A_530 = arith.constant 0 : i32
    %dma_wait3A_531 = tpu.memref_slice %arg5[%dma_wait3A_523, %dma_wait3A_530] : memref<50x128xi32, #tpu.memory_space<vmem>> -> memref<1x128xi32, #tpu.memory_space<vmem>>
    %dma_wait3A_532 = tpu.memref_squeeze %dma_wait3A_531 : memref<1x128xi32, #tpu.memory_space<vmem>> -> memref<128xi32, #tpu.memory_space<vmem>>
    %dma_wait3A_533 = arith.constant 0 : i32
    %dma_wait3A_534 = arith.constant 0 : i32
    %dma_wait3A_535 = tpu.memref_slice %arg3[%dma_wait3A_533, %dma_wait3A_534] : memref<100000x128xf32, #tpu.memory_space<hbm>> -> memref<100000x128xf32, #tpu.memory_space<hbm>>
    %dma_wait3A_536 = tpu.memref_slice %arg7[%dma_wait3A_525] : memref<5x!tpu.dma_semaphore, #tpu.memory_space<semaphore_mem>> -> memref<1x!tpu.dma_semaphore, #tpu.memory_space<semaphore_mem>>
    %dma_wait3A_537 = tpu.memref_squeeze %dma_wait3A_536 : memref<1x!tpu.dma_semaphore, #tpu.memory_space<semaphore_mem>> -> memref<!tpu.dma_semaphore, #tpu.memory_space<semaphore_mem>>
    tpu.wait_indirect_dma semaphore(%dma_wait3A_537 : memref<!tpu.dma_semaphore, #tpu.memory_space<semaphore_mem>>) src(%dma_wait3A_535 : memref<100000x128xf32, #tpu.memory_space<hbm>>) dst(%dma_wait3A_529 : memref<128x128xf32, #tpu.memory_space<vmem>>)
    %dma_start3A_538 = arith.constant 3 : i32
    %dma_start3A_539 = arith.constant 48 : i32
    %dma_start3A_540 = arith.constant 3 : i32
    %dma_start3A_541 = arith.constant 0 : i32
    %dma_start3A_542 = arith.constant 0 : i32
    %dma_start3A_543 = tpu.memref_slice %arg6[%dma_start3A_538, %dma_start3A_541, %dma_start3A_542] : memref<5x128x128xf32, #tpu.memory_space<vmem>> -> memref<1x128x128xf32, #tpu.memory_space<vmem>>
    %dma_start3A_544 = tpu.memref_squeeze %dma_start3A_543 : memref<1x128x128xf32, #tpu.memory_space<vmem>> -> memref<128x128xf32, #tpu.memory_space<vmem>>
    %dma_start3A_545 = arith.constant 0 : i32
    %dma_start3A_546 = tpu.memref_slice %arg4[%dma_start3A_539, %multiple_of3A, %dma_start3A_545] : memref<50x4096x128xf32, #tpu.memory_space<hbm>> -> memref<1x128x128xf32, #tpu.memory_space<hbm>>
    %dma_start3A_547 = tpu.memref_squeeze %dma_start3A_546 : memref<1x128x128xf32, #tpu.memory_space<hbm>> -> memref<128x128xf32, #tpu.memory_space<hbm>>
    %dma_start3A_548 = tpu.memref_slice %arg8[%dma_start3A_540] : memref<5x!tpu.dma_semaphore, #tpu.memory_space<semaphore_mem>> -> memref<1x!tpu.dma_semaphore, #tpu.memory_space<semaphore_mem>>
    %dma_start3A_549 = tpu.memref_squeeze %dma_start3A_548 : memref<1x!tpu.dma_semaphore, #tpu.memory_space<semaphore_mem>> -> memref<!tpu.dma_semaphore, #tpu.memory_space<semaphore_mem>>
    %dma_start3A_550 = arith.constant 0 : i32
    %dma_start3A_551 = tpu.memref_slice %arg4[%dma_start3A_539, %multiple_of3A, %dma_start3A_550] : memref<50x4096x128xf32, #tpu.memory_space<hbm>> -> memref<1x128x128xf32, #tpu.memory_space<hbm>>
    %dma_start3A_552 = tpu.memref_squeeze %dma_start3A_551 : memref<1x128x128xf32, #tpu.memory_space<hbm>> -> memref<128x128xf32, #tpu.memory_space<hbm>>
    %dma_start3A_553 = arith.constant 0 : i32
    %dma_start3A_554 = arith.constant 0 : i32
    %dma_start3A_555 = tpu.memref_slice %arg6[%dma_start3A_538, %dma_start3A_553, %dma_start3A_554] : memref<5x128x128xf32, #tpu.memory_space<vmem>> -> memref<1x128x128xf32, #tpu.memory_space<vmem>>
    %dma_start3A_556 = tpu.memref_squeeze %dma_start3A_555 : memref<1x128x128xf32, #tpu.memory_space<vmem>> -> memref<128x128xf32, #tpu.memory_space<vmem>>
    tpu.enqueue_dma source(%dma_start3A_556 : memref<128x128xf32, #tpu.memory_space<vmem>>) target(%dma_start3A_552 : memref<128x128xf32, #tpu.memory_space<hbm>>) target_semaphore(%dma_start3A_549 : memref<!tpu.dma_semaphore, #tpu.memory_space<semaphore_mem>>)
    %dma_wait3A_557 = arith.constant 49 : i32
    %dma_wait3A_558 = arith.constant 4 : i32
    %dma_wait3A_559 = arith.constant 4 : i32
    %dma_wait3A_560 = arith.constant 0 : i32
    %dma_wait3A_561 = arith.constant 0 : i32
    %dma_wait3A_562 = tpu.memref_slice %arg6[%dma_wait3A_558, %dma_wait3A_560, %dma_wait3A_561] : memref<5x128x128xf32, #tpu.memory_space<vmem>> -> memref<1x128x128xf32, #tpu.memory_space<vmem>>
    %dma_wait3A_563 = tpu.memref_squeeze %dma_wait3A_562 : memref<1x128x128xf32, #tpu.memory_space<vmem>> -> memref<128x128xf32, #tpu.memory_space<vmem>>
    %dma_wait3A_564 = arith.constant 0 : i32
    %dma_wait3A_565 = tpu.memref_slice %arg5[%dma_wait3A_557, %dma_wait3A_564] : memref<50x128xi32, #tpu.memory_space<vmem>> -> memref<1x128xi32, #tpu.memory_space<vmem>>
    %dma_wait3A_566 = tpu.memref_squeeze %dma_wait3A_565 : memref<1x128xi32, #tpu.memory_space<vmem>> -> memref<128xi32, #tpu.memory_space<vmem>>
    %dma_wait3A_567 = arith.constant 0 : i32
    %dma_wait3A_568 = arith.constant 0 : i32
    %dma_wait3A_569 = tpu.memref_slice %arg3[%dma_wait3A_567, %dma_wait3A_568] : memref<100000x128xf32, #tpu.memory_space<hbm>> -> memref<100000x128xf32, #tpu.memory_space<hbm>>
    %dma_wait3A_570 = tpu.memref_slice %arg7[%dma_wait3A_559] : memref<5x!tpu.dma_semaphore, #tpu.memory_space<semaphore_mem>> -> memref<1x!tpu.dma_semaphore, #tpu.memory_space<semaphore_mem>>
    %dma_wait3A_571 = tpu.memref_squeeze %dma_wait3A_570 : memref<1x!tpu.dma_semaphore, #tpu.memory_space<semaphore_mem>> -> memref<!tpu.dma_semaphore, #tpu.memory_space<semaphore_mem>>
    tpu.wait_indirect_dma semaphore(%dma_wait3A_571 : memref<!tpu.dma_semaphore, #tpu.memory_space<semaphore_mem>>) src(%dma_wait3A_569 : memref<100000x128xf32, #tpu.memory_space<hbm>>) dst(%dma_wait3A_563 : memref<128x128xf32, #tpu.memory_space<vmem>>)
    %dma_start3A_572 = arith.constant 4 : i32
    %dma_start3A_573 = arith.constant 49 : i32
    %dma_start3A_574 = arith.constant 4 : i32
    %dma_start3A_575 = arith.constant 0 : i32
    %dma_start3A_576 = arith.constant 0 : i32
    %dma_start3A_577 = tpu.memref_slice %arg6[%dma_start3A_572, %dma_start3A_575, %dma_start3A_576] : memref<5x128x128xf32, #tpu.memory_space<vmem>> -> memref<1x128x128xf32, #tpu.memory_space<vmem>>
    %dma_start3A_578 = tpu.memref_squeeze %dma_start3A_577 : memref<1x128x128xf32, #tpu.memory_space<vmem>> -> memref<128x128xf32, #tpu.memory_space<vmem>>
    %dma_start3A_579 = arith.constant 0 : i32
    %dma_start3A_580 = tpu.memref_slice %arg4[%dma_start3A_573, %multiple_of3A, %dma_start3A_579] : memref<50x4096x128xf32, #tpu.memory_space<hbm>> -> memref<1x128x128xf32, #tpu.memory_space<hbm>>
    %dma_start3A_581 = tpu.memref_squeeze %dma_start3A_580 : memref<1x128x128xf32, #tpu.memory_space<hbm>> -> memref<128x128xf32, #tpu.memory_space<hbm>>
    %dma_start3A_582 = tpu.memref_slice %arg8[%dma_start3A_574] : memref<5x!tpu.dma_semaphore, #tpu.memory_space<semaphore_mem>> -> memref<1x!tpu.dma_semaphore, #tpu.memory_space<semaphore_mem>>
    %dma_start3A_583 = tpu.memref_squeeze %dma_start3A_582 : memref<1x!tpu.dma_semaphore, #tpu.memory_space<semaphore_mem>> -> memref<!tpu.dma_semaphore, #tpu.memory_space<semaphore_mem>>
    %dma_start3A_584 = arith.constant 0 : i32
    %dma_start3A_585 = tpu.memref_slice %arg4[%dma_start3A_573, %multiple_of3A, %dma_start3A_584] : memref<50x4096x128xf32, #tpu.memory_space<hbm>> -> memref<1x128x128xf32, #tpu.memory_space<hbm>>
    %dma_start3A_586 = tpu.memref_squeeze %dma_start3A_585 : memref<1x128x128xf32, #tpu.memory_space<hbm>> -> memref<128x128xf32, #tpu.memory_space<hbm>>
    %dma_start3A_587 = arith.constant 0 : i32
    %dma_start3A_588 = arith.constant 0 : i32
    %dma_start3A_589 = tpu.memref_slice %arg6[%dma_start3A_572, %dma_start3A_587, %dma_start3A_588] : memref<5x128x128xf32, #tpu.memory_space<vmem>> -> memref<1x128x128xf32, #tpu.memory_space<vmem>>
    %dma_start3A_590 = tpu.memref_squeeze %dma_start3A_589 : memref<1x128x128xf32, #tpu.memory_space<vmem>> -> memref<128x128xf32, #tpu.memory_space<vmem>>
    tpu.enqueue_dma source(%dma_start3A_590 : memref<128x128xf32, #tpu.memory_space<vmem>>) target(%dma_start3A_586 : memref<128x128xf32, #tpu.memory_space<hbm>>) target_semaphore(%dma_start3A_583 : memref<!tpu.dma_semaphore, #tpu.memory_space<semaphore_mem>>)
    %dma_wait3A_591 = arith.constant 0 : i32
    %dma_wait3A_592 = arith.constant 45 : i32
    %dma_wait3A_593 = arith.constant 0 : i32
    %dma_wait3A_594 = arith.constant 0 : i32
    %dma_wait3A_595 = arith.constant 0 : i32
    %dma_wait3A_596 = tpu.memref_slice %arg6[%dma_wait3A_591, %dma_wait3A_594, %dma_wait3A_595] : memref<5x128x128xf32, #tpu.memory_space<vmem>> -> memref<1x128x128xf32, #tpu.memory_space<vmem>>
    %dma_wait3A_597 = tpu.memref_squeeze %dma_wait3A_596 : memref<1x128x128xf32, #tpu.memory_space<vmem>> -> memref<128x128xf32, #tpu.memory_space<vmem>>
    %dma_wait3A_598 = arith.constant 0 : i32
    %dma_wait3A_599 = tpu.memref_slice %arg4[%dma_wait3A_592, %multiple_of3A, %dma_wait3A_598] : memref<50x4096x128xf32, #tpu.memory_space<hbm>> -> memref<1x128x128xf32, #tpu.memory_space<hbm>>
    %dma_wait3A_600 = tpu.memref_squeeze %dma_wait3A_599 : memref<1x128x128xf32, #tpu.memory_space<hbm>> -> memref<128x128xf32, #tpu.memory_space<hbm>>
    %dma_wait3A_601 = tpu.memref_slice %arg8[%dma_wait3A_593] : memref<5x!tpu.dma_semaphore, #tpu.memory_space<semaphore_mem>> -> memref<1x!tpu.dma_semaphore, #tpu.memory_space<semaphore_mem>>
    %dma_wait3A_602 = tpu.memref_squeeze %dma_wait3A_601 : memref<1x!tpu.dma_semaphore, #tpu.memory_space<semaphore_mem>> -> memref<!tpu.dma_semaphore, #tpu.memory_space<semaphore_mem>>
    %dma_wait3A_603 = arith.constant 0 : i32
    %dma_wait3A_604 = tpu.memref_slice %arg4[%dma_wait3A_592, %multiple_of3A, %dma_wait3A_603] : memref<50x4096x128xf32, #tpu.memory_space<hbm>> -> memref<1x128x128xf32, #tpu.memory_space<hbm>>
    %dma_wait3A_605 = tpu.memref_squeeze %dma_wait3A_604 : memref<1x128x128xf32, #tpu.memory_space<hbm>> -> memref<128x128xf32, #tpu.memory_space<hbm>>
    %dma_wait3A_606 = arith.constant 0 : i32
    %dma_wait3A_607 = arith.constant 0 : i32
    %dma_wait3A_608 = tpu.memref_slice %arg6[%dma_wait3A_591, %dma_wait3A_606, %dma_wait3A_607] : memref<5x128x128xf32, #tpu.memory_space<vmem>> -> memref<1x128x128xf32, #tpu.memory_space<vmem>>
    %dma_wait3A_609 = tpu.memref_squeeze %dma_wait3A_608 : memref<1x128x128xf32, #tpu.memory_space<vmem>> -> memref<128x128xf32, #tpu.memory_space<vmem>>
    tpu.wait_dma2 semaphore(%dma_wait3A_602 : memref<!tpu.dma_semaphore, #tpu.memory_space<semaphore_mem>>) src(%dma_wait3A_609 : memref<128x128xf32, #tpu.memory_space<vmem>>) dst(%dma_wait3A_605 : memref<128x128xf32, #tpu.memory_space<hbm>>)
    %dma_wait3A_610 = arith.constant 1 : i32
    %dma_wait3A_611 = arith.constant 46 : i32
    %dma_wait3A_612 = arith.constant 1 : i32
    %dma_wait3A_613 = arith.constant 0 : i32
    %dma_wait3A_614 = arith.constant 0 : i32
    %dma_wait3A_615 = tpu.memref_slice %arg6[%dma_wait3A_610, %dma_wait3A_613, %dma_wait3A_614] : memref<5x128x128xf32, #tpu.memory_space<vmem>> -> memref<1x128x128xf32, #tpu.memory_space<vmem>>
    %dma_wait3A_616 = tpu.memref_squeeze %dma_wait3A_615 : memref<1x128x128xf32, #tpu.memory_space<vmem>> -> memref<128x128xf32, #tpu.memory_space<vmem>>
    %dma_wait3A_617 = arith.constant 0 : i32
    %dma_wait3A_618 = tpu.memref_slice %arg4[%dma_wait3A_611, %multiple_of3A, %dma_wait3A_617] : memref<50x4096x128xf32, #tpu.memory_space<hbm>> -> memref<1x128x128xf32, #tpu.memory_space<hbm>>
    %dma_wait3A_619 = tpu.memref_squeeze %dma_wait3A_618 : memref<1x128x128xf32, #tpu.memory_space<hbm>> -> memref<128x128xf32, #tpu.memory_space<hbm>>
    %dma_wait3A_620 = tpu.memref_slice %arg8[%dma_wait3A_612] : memref<5x!tpu.dma_semaphore, #tpu.memory_space<semaphore_mem>> -> memref<1x!tpu.dma_semaphore, #tpu.memory_space<semaphore_mem>>
    %dma_wait3A_621 = tpu.memref_squeeze %dma_wait3A_620 : memref<1x!tpu.dma_semaphore, #tpu.memory_space<semaphore_mem>> -> memref<!tpu.dma_semaphore, #tpu.memory_space<semaphore_mem>>
    %dma_wait3A_622 = arith.constant 0 : i32
    %dma_wait3A_623 = tpu.memref_slice %arg4[%dma_wait3A_611, %multiple_of3A, %dma_wait3A_622] : memref<50x4096x128xf32, #tpu.memory_space<hbm>> -> memref<1x128x128xf32, #tpu.memory_space<hbm>>
    %dma_wait3A_624 = tpu.memref_squeeze %dma_wait3A_623 : memref<1x128x128xf32, #tpu.memory_space<hbm>> -> memref<128x128xf32, #tpu.memory_space<hbm>>
    %dma_wait3A_625 = arith.constant 0 : i32
    %dma_wait3A_626 = arith.constant 0 : i32
    %dma_wait3A_627 = tpu.memref_slice %arg6[%dma_wait3A_610, %dma_wait3A_625, %dma_wait3A_626] : memref<5x128x128xf32, #tpu.memory_space<vmem>> -> memref<1x128x128xf32, #tpu.memory_space<vmem>>
    %dma_wait3A_628 = tpu.memref_squeeze %dma_wait3A_627 : memref<1x128x128xf32, #tpu.memory_space<vmem>> -> memref<128x128xf32, #tpu.memory_space<vmem>>
    tpu.wait_dma2 semaphore(%dma_wait3A_621 : memref<!tpu.dma_semaphore, #tpu.memory_space<semaphore_mem>>) src(%dma_wait3A_628 : memref<128x128xf32, #tpu.memory_space<vmem>>) dst(%dma_wait3A_624 : memref<128x128xf32, #tpu.memory_space<hbm>>)
    %dma_wait3A_629 = arith.constant 2 : i32
    %dma_wait3A_630 = arith.constant 47 : i32
    %dma_wait3A_631 = arith.constant 2 : i32
    %dma_wait3A_632 = arith.constant 0 : i32
    %dma_wait3A_633 = arith.constant 0 : i32
    %dma_wait3A_634 = tpu.memref_slice %arg6[%dma_wait3A_629, %dma_wait3A_632, %dma_wait3A_633] : memref<5x128x128xf32, #tpu.memory_space<vmem>> -> memref<1x128x128xf32, #tpu.memory_space<vmem>>
    %dma_wait3A_635 = tpu.memref_squeeze %dma_wait3A_634 : memref<1x128x128xf32, #tpu.memory_space<vmem>> -> memref<128x128xf32, #tpu.memory_space<vmem>>
    %dma_wait3A_636 = arith.constant 0 : i32
    %dma_wait3A_637 = tpu.memref_slice %arg4[%dma_wait3A_630, %multiple_of3A, %dma_wait3A_636] : memref<50x4096x128xf32, #tpu.memory_space<hbm>> -> memref<1x128x128xf32, #tpu.memory_space<hbm>>
    %dma_wait3A_638 = tpu.memref_squeeze %dma_wait3A_637 : memref<1x128x128xf32, #tpu.memory_space<hbm>> -> memref<128x128xf32, #tpu.memory_space<hbm>>
    %dma_wait3A_639 = tpu.memref_slice %arg8[%dma_wait3A_631] : memref<5x!tpu.dma_semaphore, #tpu.memory_space<semaphore_mem>> -> memref<1x!tpu.dma_semaphore, #tpu.memory_space<semaphore_mem>>
    %dma_wait3A_640 = tpu.memref_squeeze %dma_wait3A_639 : memref<1x!tpu.dma_semaphore, #tpu.memory_space<semaphore_mem>> -> memref<!tpu.dma_semaphore, #tpu.memory_space<semaphore_mem>>
    %dma_wait3A_641 = arith.constant 0 : i32
    %dma_wait3A_642 = tpu.memref_slice %arg4[%dma_wait3A_630, %multiple_of3A, %dma_wait3A_641] : memref<50x4096x128xf32, #tpu.memory_space<hbm>> -> memref<1x128x128xf32, #tpu.memory_space<hbm>>
    %dma_wait3A_643 = tpu.memref_squeeze %dma_wait3A_642 : memref<1x128x128xf32, #tpu.memory_space<hbm>> -> memref<128x128xf32, #tpu.memory_space<hbm>>
    %dma_wait3A_644 = arith.constant 0 : i32
    %dma_wait3A_645 = arith.constant 0 : i32
    %dma_wait3A_646 = tpu.memref_slice %arg6[%dma_wait3A_629, %dma_wait3A_644, %dma_wait3A_645] : memref<5x128x128xf32, #tpu.memory_space<vmem>> -> memref<1x128x128xf32, #tpu.memory_space<vmem>>
    %dma_wait3A_647 = tpu.memref_squeeze %dma_wait3A_646 : memref<1x128x128xf32, #tpu.memory_space<vmem>> -> memref<128x128xf32, #tpu.memory_space<vmem>>
    tpu.wait_dma2 semaphore(%dma_wait3A_640 : memref<!tpu.dma_semaphore, #tpu.memory_space<semaphore_mem>>) src(%dma_wait3A_647 : memref<128x128xf32, #tpu.memory_space<vmem>>) dst(%dma_wait3A_643 : memref<128x128xf32, #tpu.memory_space<hbm>>)
    %dma_wait3A_648 = arith.constant 3 : i32
    %dma_wait3A_649 = arith.constant 48 : i32
    %dma_wait3A_650 = arith.constant 3 : i32
    %dma_wait3A_651 = arith.constant 0 : i32
    %dma_wait3A_652 = arith.constant 0 : i32
    %dma_wait3A_653 = tpu.memref_slice %arg6[%dma_wait3A_648, %dma_wait3A_651, %dma_wait3A_652] : memref<5x128x128xf32, #tpu.memory_space<vmem>> -> memref<1x128x128xf32, #tpu.memory_space<vmem>>
    %dma_wait3A_654 = tpu.memref_squeeze %dma_wait3A_653 : memref<1x128x128xf32, #tpu.memory_space<vmem>> -> memref<128x128xf32, #tpu.memory_space<vmem>>
    %dma_wait3A_655 = arith.constant 0 : i32
    %dma_wait3A_656 = tpu.memref_slice %arg4[%dma_wait3A_649, %multiple_of3A, %dma_wait3A_655] : memref<50x4096x128xf32, #tpu.memory_space<hbm>> -> memref<1x128x128xf32, #tpu.memory_space<hbm>>
    %dma_wait3A_657 = tpu.memref_squeeze %dma_wait3A_656 : memref<1x128x128xf32, #tpu.memory_space<hbm>> -> memref<128x128xf32, #tpu.memory_space<hbm>>
    %dma_wait3A_658 = tpu.memref_slice %arg8[%dma_wait3A_650] : memref<5x!tpu.dma_semaphore, #tpu.memory_space<semaphore_mem>> -> memref<1x!tpu.dma_semaphore, #tpu.memory_space<semaphore_mem>>
    %dma_wait3A_659 = tpu.memref_squeeze %dma_wait3A_658 : memref<1x!tpu.dma_semaphore, #tpu.memory_space<semaphore_mem>> -> memref<!tpu.dma_semaphore, #tpu.memory_space<semaphore_mem>>
    %dma_wait3A_660 = arith.constant 0 : i32
    %dma_wait3A_661 = tpu.memref_slice %arg4[%dma_wait3A_649, %multiple_of3A, %dma_wait3A_660] : memref<50x4096x128xf32, #tpu.memory_space<hbm>> -> memref<1x128x128xf32, #tpu.memory_space<hbm>>
    %dma_wait3A_662 = tpu.memref_squeeze %dma_wait3A_661 : memref<1x128x128xf32, #tpu.memory_space<hbm>> -> memref<128x128xf32, #tpu.memory_space<hbm>>
    %dma_wait3A_663 = arith.constant 0 : i32
    %dma_wait3A_664 = arith.constant 0 : i32
    %dma_wait3A_665 = tpu.memref_slice %arg6[%dma_wait3A_648, %dma_wait3A_663, %dma_wait3A_664] : memref<5x128x128xf32, #tpu.memory_space<vmem>> -> memref<1x128x128xf32, #tpu.memory_space<vmem>>
    %dma_wait3A_666 = tpu.memref_squeeze %dma_wait3A_665 : memref<1x128x128xf32, #tpu.memory_space<vmem>> -> memref<128x128xf32, #tpu.memory_space<vmem>>
    tpu.wait_dma2 semaphore(%dma_wait3A_659 : memref<!tpu.dma_semaphore, #tpu.memory_space<semaphore_mem>>) src(%dma_wait3A_666 : memref<128x128xf32, #tpu.memory_space<vmem>>) dst(%dma_wait3A_662 : memref<128x128xf32, #tpu.memory_space<hbm>>)
    %dma_wait3A_667 = arith.constant 4 : i32
    %dma_wait3A_668 = arith.constant 49 : i32
    %dma_wait3A_669 = arith.constant 4 : i32
    %dma_wait3A_670 = arith.constant 0 : i32
    %dma_wait3A_671 = arith.constant 0 : i32
    %dma_wait3A_672 = tpu.memref_slice %arg6[%dma_wait3A_667, %dma_wait3A_670, %dma_wait3A_671] : memref<5x128x128xf32, #tpu.memory_space<vmem>> -> memref<1x128x128xf32, #tpu.memory_space<vmem>>
    %dma_wait3A_673 = tpu.memref_squeeze %dma_wait3A_672 : memref<1x128x128xf32, #tpu.memory_space<vmem>> -> memref<128x128xf32, #tpu.memory_space<vmem>>
    %dma_wait3A_674 = arith.constant 0 : i32
    %dma_wait3A_675 = tpu.memref_slice %arg4[%dma_wait3A_668, %multiple_of3A, %dma_wait3A_674] : memref<50x4096x128xf32, #tpu.memory_space<hbm>> -> memref<1x128x128xf32, #tpu.memory_space<hbm>>
    %dma_wait3A_676 = tpu.memref_squeeze %dma_wait3A_675 : memref<1x128x128xf32, #tpu.memory_space<hbm>> -> memref<128x128xf32, #tpu.memory_space<hbm>>
    %dma_wait3A_677 = tpu.memref_slice %arg8[%dma_wait3A_669] : memref<5x!tpu.dma_semaphore, #tpu.memory_space<semaphore_mem>> -> memref<1x!tpu.dma_semaphore, #tpu.memory_space<semaphore_mem>>
    %dma_wait3A_678 = tpu.memref_squeeze %dma_wait3A_677 : memref<1x!tpu.dma_semaphore, #tpu.memory_space<semaphore_mem>> -> memref<!tpu.dma_semaphore, #tpu.memory_space<semaphore_mem>>
    %dma_wait3A_679 = arith.constant 0 : i32
    %dma_wait3A_680 = tpu.memref_slice %arg4[%dma_wait3A_668, %multiple_of3A, %dma_wait3A_679] : memref<50x4096x128xf32, #tpu.memory_space<hbm>> -> memref<1x128x128xf32, #tpu.memory_space<hbm>>
    %dma_wait3A_681 = tpu.memref_squeeze %dma_wait3A_680 : memref<1x128x128xf32, #tpu.memory_space<hbm>> -> memref<128x128xf32, #tpu.memory_space<hbm>>
    %dma_wait3A_682 = arith.constant 0 : i32
    %dma_wait3A_683 = arith.constant 0 : i32
    %dma_wait3A_684 = tpu.memref_slice %arg6[%dma_wait3A_667, %dma_wait3A_682, %dma_wait3A_683] : memref<5x128x128xf32, #tpu.memory_space<vmem>> -> memref<1x128x128xf32, #tpu.memory_space<vmem>>
    %dma_wait3A_685 = tpu.memref_squeeze %dma_wait3A_684 : memref<1x128x128xf32, #tpu.memory_space<vmem>> -> memref<128x128xf32, #tpu.memory_space<vmem>>
    tpu.wait_dma2 semaphore(%dma_wait3A_678 : memref<!tpu.dma_semaphore, #tpu.memory_space<semaphore_mem>>) src(%dma_wait3A_685 : memref<128x128xf32, #tpu.memory_space<vmem>>) dst(%dma_wait3A_681 : memref<128x128xf32, #tpu.memory_space<hbm>>)
    return
  }
}

</mosaic_0001>

<sc_bundles>
// kernel: kernel.3.cloned.1.call-start
scs
__scs_entry_jumppad:
0x0: {  	(pc) =	sbr.rel $0x88, $3  }
0x1: {  	(tag) =	ssettag $0x0;
	lr =	simm.s32 $0x1  }
0x2: {  	[smem:$0x3F9F] =	sst lr;
	_ =	strace $0xD0000000  }
0x3: {  	_ = 	snop  }
0x4: {  	_ = 	snop  }
0x5: {  	_ = 	snop  }
0x6: {  	_ = 	snop  }
0x7: {  	_ = 	snop  }
__scs_overlays_trampoline_lowered:
0x8: {  	[smem:$0x3FAE] =	sst s0  }
0x9: {  	[smem:$0x3FAF] =	sst s1  }
0xa: {  	[smem:$0x3FB0] =	sst s2  }
0xb: {  	[smem:$0x3FB1] =	sst s3  }
0xc: {  	[smem:$0x3FB2] =	sst s4  }
0xd: {  	[smem:$0x3FB3] =	sst s5  }
0xe: {  	[smem:$0x3FB4] =	sst s6  }
0xf: {  	[smem:$0x3FB5] =	sst s7  }
0x10: {  	[smem:$0x3FB6] =	sst s8  }
0x11: {  	[smem:$0x3FB7] =	sst s9;
	s0 =	simm.s32 @!p0 $0x0  }
0x12: {  	s1 =	sld [smem:$0x3F9D];
	s0 =	simm.s32 @p0 $0x1  }
0x13: {  	[smem:$0x3FB8] =	sst s0;
	s0 =	simm.s32 @!p1 $0x0  }
0x14: {  	s2 =	sld [smem:$0x3F9C];
	s0 =	simm.s32 @p1 $0x1  }
0x15: {  	[smem:$0x3FB9] =	sst s0;
	s0 =	simm.s32 @!p2 $0x0  }
0x16: {  	s3 =	sld [smem:$0x3FDB];
	s0 =	simm.s32 @p2 $0x1  }
0x17: {  	s4 =	simm.s32 $0x1BF5;
	[smem:$0x3FBB] =	sst s0  }
0x18: {  	s0 =	sld [smem:$0x3F9E];
	_ =	swait.ge [sflag:s4], $0x0  }
0x19: {  	s7 =	sld [smem:$0x3F9F]  }
0x1a: {  	s8 =	sadd.s32 $0xFFFFE003, lr  }
0x1b: {  	s9 =	sadd.s32 $0xFFFFFEF7, lr;
	s5 =	simm.s32 $0xFFFFFFFF;
	p2 =	slt.u32 s8, $0xFFFFF086  }
0x1c: {  	p1 =	slt.u32 s9, $0xF7A;
	s5 =	simm.s32 @!p2 $0x0  }
0x1d: {  	s5 =	simm.s32 @p1 $0x1;
	p0 =	seq.s32 s7, s2  }
0x1e: {  	s7 =	smul.u32 @!p0 $0xF7A, s2;
	p2 =	seq.s32 @!p0 s5, $0x0  }
0x1f: {  	s9 =	smul.u32 $0xF7A, s1;
	s8 =	simm.s32 @!p0 $0x1BF5;
	p2 =	por !p2, p0  }
0x20: {  	[sflag:s8] =	ssyncset.s32 @!p0 $0xFFFFF086;
	s6 =	sadd.s32 @!p0 s3, s7;
	s7 =	simm.s32 @!p0 $0x108  }
0x21: {  	s3 =	sadd.s32 s3, s9;
	s6 =	sadd.s32 @!p0 $0x88, s6;
	s7 =	simm.s32 @p2 $0x1082  }
0x22: {  	[simem:s7], [sflag:s8] =	dma.local @!p0 [hbm:s6], $0xF7A  }
0x23: {  	s9 =	sor.u32 $0xD0000000, s2;
	s6 =	simm.s32 $0x108;
	_ =	swait.ge @!p0 [sflag:s8], $0x0  }
0x24: {  	s3 =	sadd.s32 $0x88, s3;
	s6 =	simm.s32 @!p1 $0x1082;
	[sflag:s4] =	ssyncset.s32 $0xFFFFF086  }
0x25: {  	[simem:s6], [sflag:s4] =	dma.local [hbm:s3], $0xF7A  }
0x26: {  	[smem:$0x3F9F] =	sst s1;
	(tag) =	ssettag s2;
	_ =	strace s9  }
0x27: {  	s1 =	sld [smem:$0x3FAF]  }
0x28: {  	s2 =	sld [smem:$0x3FB0]  }
0x29: {  	s4 =	sld [smem:$0x3FB2]  }
0x2a: {  	p0 =	seq.s32 s5, $0x0;
	s5 =	sld [smem:$0x3FB3]  }
0x2b: {  	s6 =	sld [smem:$0x3FB4]  }
0x2c: {  	s7 =	sld [smem:$0x3FB5]  }
0x2d: {  	s3 =	simm.s32 $0x108;
	s8 =	sld [smem:$0x3FB6]  }
0x2e: {  	s3 =	simm.s32 @!p0 $0x1082;
	s9 =	sld [smem:$0x3FB7]  }
0x2f: {  	lr =	sadd.s32 s0, s3;
	s0 =	sld [smem:$0x3FAE]  }
0x30: {  	s3 =	sld [smem:$0x3FB1]  }
0x31: {  	[smem:$0x3FBA] =	sst s10  }
0x32: {  	s10 =	sld [smem:$0x3FB8];
	_ =	sdelay $0x3  }
0x33: {  	p0 =	seq.s32 s10, $0x1;
	s10 =	sld [smem:$0x3FBA];
	_ =	sdelay $0x3  }
0x34: {  	[smem:$0x3FBA] =	sst s10  }
0x35: {  	s10 =	sld [smem:$0x3FB9];
	_ =	sdelay $0x3  }
0x36: {  	p1 =	seq.s32 s10, $0x1;
	s10 =	sld [smem:$0x3FBA];
	_ =	sdelay $0x3  }
0x37: {  	[smem:$0x3FBA] =	sst s10  }
0x38: {  	s10 =	sld [smem:$0x3FBB]  }
0x39: {  	_ = 	snop;
	(pc) =	sbr.ind lr, $3  }
0x3a: {  	_ = 	snop  }
0x3b: {  	_ = 	snop  }
0x3c: {  	p2 =	seq.s32 s10, $0x1;
	s10 =	sld [smem:$0x3FBA]  }
0x3d: {  	_ =	shalt  }
0x3e: {  	_ =	shalt  }
0x3f: {  	_ =	shalt  }
0x40: {  	_ =	shalt  }
0x41: {  	_ =	shalt  }
0x42: {  	_ =	shalt  }
0x43: {  	_ =	shalt  }
0x44: {  	_ =	shalt  }
0x45: {  	_ =	shalt  }
0x46: {  	_ =	shalt  }
0x47: {  	_ =	shalt  }
0x48: {  	_ =	shalt  }
0x49: {  	_ =	shalt  }
0x4a: {  	_ =	shalt  }
0x4b: {  	_ =	shalt  }
0x4c: {  	_ =	shalt  }
0x4d: {  	_ =	shalt  }
0x4e: {  	_ =	shalt  }
0x4f: {  	_ =	shalt  }
0x50: {  	_ =	shalt  }
0x51: {  	_ =	shalt  }
0x52: {  	_ =	shalt  }
0x53: {  	_ =	shalt  }
0x54: {  	_ =	shalt  }
0x55: {  	_ =	shalt  }
0x56: {  	_ =	shalt  }
0x57: {  	_ =	shalt  }
0x58: {  	_ =	shalt  }
0x59: {  	_ =	shalt  }
0x5a: {  	_ =	shalt  }
0x5b: {  	_ =	shalt  }
0x5c: {  	_ =	shalt  }
0x5d: {  	_ =	shalt  }
0x5e: {  	_ =	shalt  }
0x5f: {  	_ =	shalt  }
0x60: {  	_ =	shalt  }
0x61: {  	_ =	shalt  }
0x62: {  	_ =	shalt  }
0x63: {  	_ =	shalt  }
0x64: {  	_ =	shalt  }
0x65: {  	_ =	shalt  }
0x66: {  	_ =	shalt  }
0x67: {  	_ =	shalt  }
0x68: {  	_ =	shalt  }
0x69: {  	_ =	shalt  }
0x6a: {  	_ =	shalt  }
0x6b: {  	_ =	shalt  }
0x6c: {  	_ =	shalt  }
0x6d: {  	_ =	shalt  }
0x6e: {  	_ =	shalt  }
0x6f: {  	_ =	shalt  }
0x70: {  	_ =	shalt  }
0x71: {  	_ =	shalt  }
0x72: {  	_ =	shalt  }
0x73: {  	_ =	shalt  }
0x74: {  	_ =	shalt  }
0x75: {  	_ =	shalt  }
0x76: {  	_ =	shalt  }
0x77: {  	_ =	shalt  }
0x78: {  	_ =	shalt  }
0x79: {  	_ =	shalt  }
0x7a: {  	_ =	shalt  }
0x7b: {  	_ =	shalt  }
0x7c: {  	_ =	shalt  }
0x7d: {  	_ =	shalt  }
0x7e: {  	_ =	shalt  }
0x7f: {  	_ =	shalt  }
0x80: {  	_ =	shalt  }
0x81: {  	_ =	shalt  }
0x82: {  	_ =	shalt  }
0x83: {  	_ =	shalt  }
0x84: {  	_ =	shalt  }
0x85: {  	_ =	shalt  }
0x86: {  	_ =	shalt  }
0x87: {  	_ =	shalt  }
.Lfunc_end0:
.L_simem_size_0:
called_computation_lowered:
.L_overlay_start_0:
0x88: {  	s2 =	sld [smem:$0x3FD9]  }
0x89: {  	s3 =	sld [smem:$0x3FFE];
	_ =	sdelay $0x1  }
0x8a: {  	s1 =	srdreg.scid  }
0x8b: {  	s0 =	sand.u32 $0x1, s1  }
0x8c: {  	s18 =	sshll.u32 s0, $0xA;
	s2 =	sadd.s32 s3, s2  }
0x8d: {  	s2 =	sadd.s32 s2, s18  }
0x8e: {  	[smem:$0x3FC6] =	sst s2  }
0x8f: {  	_ = 	snop  }
0x90: {  	s2 =	sld [smem:$0x3FC9]  }
0x91: {  	s19 =	sld [smem:$0x3FC8]  }
0x92: {  	s4 =	sld [smem:$0x3FD0];
	(tm) =	ssettm $0x1  }
0x93: {  	s5 =	sld [smem:$0x3FFB];
	_ =	sdelay $0x3  }
0x94: {  	_ =	strace s5  }
0x95: {  	s5 =	sld [smem:$0x3FFC];
	_ =	sdelay $0x3  }
0x96: {  	_ =	strace s5  }
0x97: {  	s5 =	sld [smem:$0x3FFD];
	_ =	sdelay $0x3  }
0x98: {  	_ =	strace s5  }
0x99: {  	_ =	strace $0x8FFFFFFF  }
0x9a: {  	s20 =	sld [smem:$0x3FDB];
	_ =	sdelay $0x1  }
0x9b: {  	s6 =	simm.s32 $_scs_section_size  }
0x9c: {  	s7 =	simm.s32 $_size__tile_overlayer_lowered;
	s8 =	simm.s32 $_tile_overlayer_lowered  }
0x9d: {  	s23 =	simm.s32 $0x1BFF;
	s22 =	sshll.u32 s8, $0x1;
	s5 =	sadd.s32 s6, s20  }
0x9e: {  	s9 =	simm.s32 $0x0;
	s21 =	sshll.u32 s7, $0x1;
	s7 =	sadd.s32 s22, s5  }
0x9f: {  	[timem:s9], [sflag:s23] =	dma.local [hbm:s7], s21  }
0xa0: {  	_ =	swait.ge [sflag:s23], s21  }
0xa1: {  	s6 =	ssub.s32 $0x0, s21;
	[sflag:s23] =	ssyncset.done $0x0  }
0xa2: {  	[sflag:s23] =	ssyncadd.s32 s6;
	_ =	sdelay $0x1  }
0xa3: {  	s24 =	simm.s32 $0x1B8B  }
0xa4: {  	_ =	swait.ge [sflag:s24], $0x1  }
0xa5: {  	[sflag:s24] =	ssyncset.done $0x0  }
0xa6: {  	s25 =	simm.s32 $0x1B8E;
	[sflag:s24] =	ssyncadd.s32 $0xFFFFFFFF  }
0xa7: {  	s26 =	simm.s32 $execute0_lowered;
	[smem:$0x3FD2] =	sst s25  }
0xa8: {  	s6 =	sshll.u32 s26, $0x1;
	_ =	strace $0x80000046;
	[dreg:$0x1] =	wrdreg $0xFFFFFFFF  }
0xa9: {  	s28 =	simm.s32 $_size_execute0_lowered;
	s5 =	sadd.s32 s5, s6;
	[dreg:$0x0] =	wrdreg $0x0  }
0xaa: {  	s6 =	sshll.u32 s28, $0x1;
	[dreg:$0x2] =	wrdreg s5  }
0xab: {  	[dreg:$0x3] =	wrdreg s6  }
0xac: {  	[dreg:$0x4] =	wrdreg $0xC0  }
0xad: {  	_ =	task [dreg:s9], $0x5FFFF  }
0xae: {  	[dreg:$0x1] =	wrdreg $0xFFFFFFFF  }
0xaf: {  	[dreg:$0x0] =	wrdreg $0x60  }
0xb0: {  	[dreg:$0x2] =	wrdreg s2  }
0xb1: {  	[dreg:$0x3] =	wrdreg s19  }
0xb2: {  	[dreg:$0x4] =	wrdreg s4  }
0xb3: {  	[dreg:$0x5] =	wrdreg $0x9  }
0xb4: {  	_ =	task.clear_ibuf [dreg:s9], $0x6FFFF;
	_ =	strace $0x90000046  }
0xb5: {  	s29 =	simm.s32 $0x9;
	_ =	strace $0x80000048  }
0xb6: {  	_ =	swait.ge [sflag:s29], $0x1  }
0xb7: {  	[sflag:s29] =	ssyncadd.s32 $0xFFFFFFFF  }
0xb8: {  	_ =	strace $0x90000048  }
0xb9: {  	_ =	sfence  }
0xba: {  	s30 =	sld [smem:$0x0];
	_ =	sdelay $0x2  }
0xbb: {  	s31 =	sshll.u32 s1, $0xD;
	s1 =	sshrl.u32 s1, $0x2  }
0xbc: {  	s3 =	sand.u32 $0x4000, s31;
	s1 =	sadd.s32 s1, s30  }
0xbd: {  	s0 =	sor.u32 s3, s0;
	s1 =	sshll.u32 s1, $0x11  }
0xbe: {  	s0 =	sor.u32 s1, s0  }
0xbf: {  	s0 =	sadd.s32 $0x8F2B, s0  }
0xc0: {  	[sflag:s0] =	ssyncadd.remote.s32 $0x1  }
0xc1: {  	_ =	sfence.sel $0xFFFF  }
0xc2: {  	[dreg:$0x0] =	wrdreg $0xFFFFFFFF;
	(pc) =	sbr.abs _section_cstart, $3  }
0xc3: {  	[dreg:$0x1] =	wrdreg $0xFFFFFFFF  }
0xc4: {  	_ =	task.clear_ibuf [dreg:s9], $0x2FFFF;
	_ =	strace $0x9FFFFFFF  }
0xc5: {  	(tm) =	ssettm $0x7FFFFFFF  }
tec
execute0_lowered:
.L_overlay_start_1:
0x0: {  	(tag) =	ssettag $0x1  }
0x1: {  	s0 =	rddreg [dreg:$0x0]  }
0x2: {  	s1 =	rddreg [dreg:$0x1];
	s2 =	srdreg.scid  }
0x3: {  	s3 =	rddreg [dreg:$0x2];
	s8 =	stileid.u32;
	s2 =	sand.u32 $0x1, s2  }
0x4: {  	s4 =	simm.s32 $0x0;
	s5 =	sshll.u32 s8, $0x8;
	s6 =	sshll.u32 s2, $0x7  }
0x5: {  	[smem:$0x7FF] =	sst s4;
	s7 =	ssub.s32 $0x2, s2;
	s5 =	sor.u32 s6, s5  }
0x6: {  	_ =	strace $0x80000047;
	s24 =	sshrl.u32 s7, $0x1;
	s9 =	sadd.s32 s0, s5  }
0x7: {  	s25 =	sshll.u32 s5, $0x4;
	[dreg:$0x4] =	wrdreg s9;
	s10 =	sadd.s32 $0x6000, s9  }
0x8: {  	s26 =	ssub.s32 s7, s24;
	s11 =	sadd.s32 s3, s25;
	[dreg:$0x5] =	wrdreg s10  }
0x9: {  	s28 =	simm.s32 $0x80;
	s5 =	smax.u32 s26, $0x1;
	[dreg:$0x6] =	wrdreg s11  }
0xa: {  	s29 =	simm.s32 $0x1C00;
	s0 =	sadd.s32 $0x10000, s11;
	[dreg:$0x10] =	wrdreg s5  }
0xb: {  	s30 =	simm.s32 $0x5C00;
	s12 =	sadd.s32 $0x20000, s11;
	[dreg:$0x7] =	wrdreg s0  }
0xc: {  	s31 =	simm.s32 $0x2;
	s13 =	sadd.s32 $0x30000, s11;
	[dreg:$0x8] =	wrdreg s12  }
0xd: {  	s15 =	sshll.u32 s8, $0xF;
	s14 =	sadd.s32 $0x40000, s11;
	[dreg:$0x9] =	wrdreg s13  }
0xe: {  	s8 =	simm.s32 $0x6;
	s16 =	sadd.s32 $0x2D0000, s11;
	[dreg:$0xa] =	wrdreg s14  }
0xf: {  	s2 =	sshll.u32 s2, $0xE;
	s17 =	sadd.s32 $0x2E0000, s11;
	[dreg:$0xb] =	wrdreg s16  }
0x10: {  	s9 =	simm.s32 $0x4;
	s18 =	sadd.s32 $0x2F0000, s11;
	[dreg:$0xc] =	wrdreg s17  }
0x11: {  	s19 =	sadd.s32 $0x300000, s11;
	s6 =	sadd.s32 $0x310000, s11;
	[dreg:$0xd] =	wrdreg s18  }
0x12: {  	s10 =	simm.s32 $0x7;
	s11 =	simm.s32 $0x5;
	[dreg:$0xe] =	wrdreg s19  }
0x13: {  	s5 =	simm.s32 $0x8;
	s0 =	sor.u32 s2, s15;
	[dreg:$0xf] =	wrdreg s6  }
0x14: {  	s17 =	simm.s32 $0x1800;
	s6 =	simm.s32 $0x3;
	s12 =	simm.s32 $0x9  }
0x15: {  	s13 =	simm.s32 $0xA;
	s14 =	simm.s32 $0x0;
	s20 =	sor.u32 $0x380000, s0  }
0x16: {  	s21 =	sor.u32 $0x300000, s0;
	s23 =	sor.u32 $0x480000, s0;
	s24 =	sor.u32 $0x400000, s0  }
0x17: {  	s2 =	sshrl.u32 s20, $0x3;
	s22 =	sshrl.u32 s21, $0x3;
	s20 =	sor.u32 $0x280000, s0  }
0x18: {  	s25 =	sshrl.u32 s23, $0x3;
	s26 =	sshrl.u32 s24, $0x3;
	s0 =	simm.s32 $0x9C00  }
0x19: {  	s24 =	simm.s32 $0xDC00;
	s23 =	simm.s32 $0x11C00;
	s2 =	sadd.s32 s2, s3  }
0x1a: {  	s21 =	sadd.s32 s25, s3;
	[dreg:$0x11] =	wrdreg s2;
	s2 =	sadd.s32 s22, s3  }
0x1b: {  	s22 =	sadd.s32 s26, s3;
	[dreg:$0x12] =	wrdreg s2;
	s2 =	simm.s32 $0x1  }
.LBB2_1:
0x1c: {  	s7 =	rddreg [dreg:$0x4];
	s15 =	simm.s32 $0x400;
	s16 =	simm.s32 $0x8000  }
0x1d: {  	[tilespmem:s4], [sflag:$0xB] =	stream.strided.gather [hbm4b:s7+s15], $0x1800, s16, s15, $0x38;
	[tilespmem:$0x15C00] =	vst v63  }
0x1e: {  	s18 =	rddreg [dreg:$0x5];
	s19 =	simm.s32 $0xB  }
0x1f: {  	[tilespmem:s17], [sflag:$0xB] =	stream.linear.gather [hbm4b:s18+s4], $0x100, $0x38;
	[tilespmem:$0x15C00] =	vst v63  }
0x20: {  	_ =	swait.ge [sflag:s19], $0x1900  }
0x21: {  	[sflag:s19] =	ssyncset.done $0x0  }
0x22: {  	[sflag:s19] =	ssyncadd.s32 $0xFFFFE700  }
0x23: {  	[tilespmem:s29], [sflag:$0x1] =	stream.indirect.gather [hbm4b:s1+s28], $0x80, s4, s28, $0xb8;
	[tilespmem:$0x15C00] =	vst v63  }
0x24: {  	_ = 	snop  }
0x25: {  	[tilespmem:s30], [sflag:$0x2] =	stream.indirect.gather [hbm4b:s1+s28], $0x80, s28, s28, $0xb8;
	[tilespmem:$0x15C00] =	vst v63  }
0x26: {  	s25 =	simm.s32 $0x100  }
0x27: {  	[tilespmem:s0], [sflag:$0x3] =	stream.indirect.gather [hbm4b:s1+s28], $0x80, s25, s28, $0xb8;
	[tilespmem:$0x15C00] =	vst v63  }
0x28: {  	_ =	swait.ge [sflag:s2], $0x4000  }
0x29: {  	[sflag:s2] =	ssyncset.done $0x0  }
0x2a: {  	s26 =	rddreg [dreg:$0x6];
	[sflag:s2] =	ssyncadd.s32 $0xFFFFC000  }
0x2b: {  	[hbm4b:s26+s4] =	stream.linear.scatter [tilespmem:s29], [sflag:$0x6], $0x4000, $0x38;
	[tilespmem:$0x15C00] =	vst v63  }
0x2c: {  	s15 =	simm.s32 $0x180  }
0x2d: {  	[tilespmem:s24], [sflag:$0x4] =	stream.indirect.gather [hbm4b:s1+s28], $0x80, s15, s28, $0xb8;
	[tilespmem:$0x15C00] =	vst v63  }
0x2e: {  	_ =	swait.ge [sflag:s31], $0x4000  }
0x2f: {  	[sflag:s31] =	ssyncset.done $0x0  }
0x30: {  	s16 =	rddreg [dreg:$0x7];
	[sflag:s31] =	ssyncadd.s32 $0xFFFFC000  }
0x31: {  	[hbm4b:s16+s4] =	stream.linear.scatter [tilespmem:s30], [sflag:$0x7], $0x4000, $0x38;
	[tilespmem:$0x15C00] =	vst v63  }
0x32: {  	s17 =	simm.s32 $0x200  }
0x33: {  	[tilespmem:s23], [sflag:$0x5] =	stream.indirect.gather [hbm4b:s1+s28], $0x80, s17, s28, $0xb8;
	[tilespmem:$0x15C00] =	vst v63  }
0x34: {  	_ =	swait.ge [sflag:s6], $0x4000  }
0x35: {  	[sflag:s6] =	ssyncset.done $0x0  }
0x36: {  	s18 =	rddreg [dreg:$0x8];
	[sflag:s6] =	ssyncadd.s32 $0xFFFFC000  }
0x37: {  	[hbm4b:s18+s4] =	stream.linear.scatter [tilespmem:s0], [sflag:$0x8], $0x4000, $0x38;
	[tilespmem:$0x15C00] =	vst v63  }
0x38: {  	_ =	swait.ge [sflag:s8], $0x4000  }
0x39: {  	[sflag:s8] =	ssyncset.done $0x0  }
0x3a: {  	s19 =	simm.s32 $0x280;
	[sflag:s8] =	ssyncadd.s32 $0xFFFFC000  }
0x3b: {  	[tilespmem:s29], [sflag:$0x1] =	stream.indirect.gather [hbm4b:s1+s28], $0x80, s19, s28, $0xb8;
	[tilespmem:$0x15C00] =	vst v63  }
0x3c: {  	_ =	swait.ge [sflag:s9], $0x4000  }
0x3d: {  	[sflag:s9] =	ssyncset.done $0x0  }
0x3e: {  	s25 =	rddreg [dreg:$0x9];
	[sflag:s9] =	ssyncadd.s32 $0xFFFFC000  }
0x3f: {  	[hbm4b:s25+s4] =	stream.linear.scatter [tilespmem:s24], [sflag:$0x9], $0x4000, $0x38;
	[tilespmem:$0x15C00] =	vst v63  }
0x40: {  	_ =	swait.ge [sflag:s10], $0x4000  }
0x41: {  	[sflag:s10] =	ssyncset.done $0x0  }
0x42: {  	s26 =	simm.s32 $0x300;
	[sflag:s10] =	ssyncadd.s32 $0xFFFFC000  }
0x43: {  	[tilespmem:s30], [sflag:$0x2] =	stream.indirect.gather [hbm4b:s1+s28], $0x80, s26, s28, $0xb8;
	[tilespmem:$0x15C00] =	vst v63  }
0x44: {  	_ =	swait.ge [sflag:s11], $0x4000  }
0x45: {  	[sflag:s11] =	ssyncset.done $0x0  }
0x46: {  	s15 =	rddreg [dreg:$0xa];
	[sflag:s11] =	ssyncadd.s32 $0xFFFFC000  }
0x47: {  	[hbm4b:s15+s4] =	stream.linear.scatter [tilespmem:s23], [sflag:$0xA], $0x4000, $0x38;
	[tilespmem:$0x15C00] =	vst v63  }
0x48: {  	_ =	swait.ge [sflag:s5], $0x4000  }
0x49: {  	[sflag:s5] =	ssyncset.done $0x0  }
0x4a: {  	s16 =	simm.s32 $0x380;
	[sflag:s5] =	ssyncadd.s32 $0xFFFFC000  }
0x4b: {  	[tilespmem:s0], [sflag:$0x3] =	stream.indirect.gather [hbm4b:s1+s28], $0x80, s16, s28, $0xb8;
	[tilespmem:$0x15C00] =	vst v63  }
0x4c: {  	_ =	swait.ge [sflag:s2], $0x4000  }
0x4d: {  	s17 =	sshrl.u32 s20, $0x3;
	[sflag:s2] =	ssyncset.done $0x0  }
0x4e: {  	s7 =	sadd.s32 s3, s17;
	[sflag:s2] =	ssyncadd.s32 $0xFFFFC000  }
0x4f: {  	[hbm4b:s7+s4] =	stream.linear.scatter [tilespmem:s29], [sflag:$0x6], $0x4000, $0x38;
	[tilespmem:$0x15C00] =	vst v63  }
0x50: {  	_ =	swait.ge [sflag:s12], $0x4000  }
0x51: {  	[sflag:s12] =	ssyncset.done $0x0  }
0x52: {  	s18 =	simm.s32 $0x400;
	[sflag:s12] =	ssyncadd.s32 $0xFFFFC000  }
0x53: {  	[tilespmem:s24], [sflag:$0x4] =	stream.indirect.gather [hbm4b:s1+s28], $0x80, s18, s28, $0xb8;
	[tilespmem:$0x15C00] =	vst v63  }
0x54: {  	_ =	swait.ge [sflag:s31], $0x4000  }
0x55: {  	[sflag:s31] =	ssyncset.done $0x0  }
0x56: {  	s18 =	rddreg [dreg:$0x12];
	[sflag:s31] =	ssyncadd.s32 $0xFFFFC000  }
0x57: {  	[hbm4b:s18+s4] =	stream.linear.scatter [tilespmem:s30], [sflag:$0x7], $0x4000, $0x38;
	[tilespmem:$0x15C00] =	vst v63  }
0x58: {  	_ =	swait.ge [sflag:s13], $0x4000  }
0x59: {  	[sflag:s13] =	ssyncset.done $0x0  }
0x5a: {  	s19 =	simm.s32 $0x480;
	[sflag:s13] =	ssyncadd.s32 $0xFFFFC000  }
0x5b: {  	[tilespmem:s23], [sflag:$0x5] =	stream.indirect.gather [hbm4b:s1+s28], $0x80, s19, s28, $0xb8;
	[tilespmem:$0x15C00] =	vst v63  }
0x5c: {  	_ =	swait.ge [sflag:s6], $0x4000  }
0x5d: {  	[sflag:s6] =	ssyncset.done $0x0  }
0x5e: {  	s19 =	rddreg [dreg:$0x11];
	[sflag:s6] =	ssyncadd.s32 $0xFFFFC000  }
0x5f: {  	[hbm4b:s19+s4] =	stream.linear.scatter [tilespmem:s0], [sflag:$0x8], $0x4000, $0x38;
	[tilespmem:$0x15C00] =	vst v63  }
0x60: {  	_ =	swait.ge [sflag:s8], $0x4000  }
0x61: {  	[sflag:s8] =	ssyncset.done $0x0  }
0x62: {  	s25 =	simm.s32 $0x500;
	[sflag:s8] =	ssyncadd.s32 $0xFFFFC000  }
0x63: {  	[tilespmem:s29], [sflag:$0x1] =	stream.indirect.gather [hbm4b:s1+s28], $0x80, s25, s28, $0xb8;
	[tilespmem:$0x15C00] =	vst v63  }
0x64: {  	_ =	swait.ge [sflag:s9], $0x4000  }
0x65: {  	[sflag:s9] =	ssyncset.done $0x0  }
0x66: {  	[sflag:s9] =	ssyncadd.s32 $0xFFFFC000  }
0x67: {  	[hbm4b:s22+s4] =	stream.linear.scatter [tilespmem:s24], [sflag:$0x9], $0x4000, $0x38;
	[tilespmem:$0x15C00] =	vst v63  }
0x68: {  	_ =	swait.ge [sflag:s10], $0x4000  }
0x69: {  	[sflag:s10] =	ssyncset.done $0x0  }
0x6a: {  	s26 =	simm.s32 $0x580;
	[sflag:s10] =	ssyncadd.s32 $0xFFFFC000  }
0x6b: {  	[tilespmem:s30], [sflag:$0x2] =	stream.indirect.gather [hbm4b:s1+s28], $0x80, s26, s28, $0xb8;
	[tilespmem:$0x15C00] =	vst v63  }
0x6c: {  	_ =	swait.ge [sflag:s11], $0x4000  }
0x6d: {  	[sflag:s11] =	ssyncset.done $0x0  }
0x6e: {  	s17 =	sadd.s32 $0x50000, s22;
	[sflag:s11] =	ssyncadd.s32 $0xFFFFC000  }
0x6f: {  	[hbm4b:s21+s4] =	stream.linear.scatter [tilespmem:s23], [sflag:$0xA], $0x4000, $0x38;
	[tilespmem:$0x15C00] =	vst v63  }
0x70: {  	s15 =	simm.s32 $0xA00;
	s16 =	sadd.s32 $0x50000, s21;
	_ =	swait.ge [sflag:s5], $0x4000  }
0x71: {  	s7 =	sadd.s32 $0x280000, s20;
	s25 =	sadd.s32 $0x50000, s18;
	[sflag:s5] =	ssyncset.done $0x0  }
0x72: {  	s18 =	simm.s32 $0x600;
	s26 =	sadd.s32 $0x50000, s19;
	[sflag:s5] =	ssyncadd.s32 $0xFFFFC000  }
.LBB2_2:
0x73: {  	[tilespmem:s0], [sflag:$0x3] =	stream.indirect.gather [hbm4b:s1+s28], $0x80, s18, s28, $0xb8;
	[tilespmem:$0x15C00] =	vst v63  }
0x74: {  	s18 =	smov.u32 s15  }
0x75: {  	p0 =	sne.s32 s15, $0x4600;
	s15 =	sadd.s32 $0xA00, s15;
	_ =	swait.ge [sflag:s2], $0x4000  }
0x76: {  	s19 =	sshrl.u32 s7, $0x3;
	[sflag:s2] =	ssyncset.done $0x0  }
0x77: {  	s19 =	sadd.s32 s3, s19;
	[sflag:s2] =	ssyncadd.s32 $0xFFFFC000  }
0x78: {  	[hbm4b:s19+s4] =	stream.linear.scatter [tilespmem:s29], [sflag:$0x6], $0x4000, $0x38;
	[tilespmem:$0x15C00] =	vst v63  }
0x79: {  	_ =	swait.ge [sflag:s12], $0x4000  }
0x7a: {  	s18 =	sshra.s32 s18, $0x2;
	[sflag:s12] =	ssyncset.done $0x0  }
0x7b: {  	s19 =	sadd.s32 $0x400, s18;
	[sflag:s12] =	ssyncadd.s32 $0xFFFFC000  }
0x7c: {  	[tilespmem:s24], [sflag:$0x4] =	stream.indirect.gather [hbm4b:s1+s28], $0x80, s19, s28, $0xb8;
	[tilespmem:$0x15C00] =	vst v63  }
0x7d: {  	_ =	swait.ge [sflag:s31], $0x4000  }
0x7e: {  	[sflag:s31] =	ssyncset.done $0x0  }
0x7f: {  	[sflag:s31] =	ssyncadd.s32 $0xFFFFC000  }
0x80: {  	[hbm4b:s25+s4] =	stream.linear.scatter [tilespmem:s30], [sflag:$0x7], $0x4000, $0x38;
	[tilespmem:$0x15C00] =	vst v63  }
0x81: {  	_ =	swait.ge [sflag:s13], $0x4000  }
0x82: {  	[sflag:s13] =	ssyncset.done $0x0  }
0x83: {  	s19 =	sadd.s32 $0x480, s18;
	[sflag:s13] =	ssyncadd.s32 $0xFFFFC000  }
0x84: {  	[tilespmem:s23], [sflag:$0x5] =	stream.indirect.gather [hbm4b:s1+s28], $0x80, s19, s28, $0xb8;
	[tilespmem:$0x15C00] =	vst v63  }
0x85: {  	_ =	swait.ge [sflag:s6], $0x4000  }
0x86: {  	[sflag:s6] =	ssyncset.done $0x0  }
0x87: {  	[sflag:s6] =	ssyncadd.s32 $0xFFFFC000  }
0x88: {  	[hbm4b:s26+s4] =	stream.linear.scatter [tilespmem:s0], [sflag:$0x8], $0x4000, $0x38;
	[tilespmem:$0x15C00] =	vst v63  }
0x89: {  	_ =	swait.ge [sflag:s8], $0x4000  }
0x8a: {  	[sflag:s8] =	ssyncset.done $0x0  }
0x8b: {  	s19 =	sadd.s32 $0x500, s18;
	[sflag:s8] =	ssyncadd.s32 $0xFFFFC000  }
0x8c: {  	[tilespmem:s29], [sflag:$0x1] =	stream.indirect.gather [hbm4b:s1+s28], $0x80, s19, s28, $0xb8;
	[tilespmem:$0x15C00] =	vst v63  }
0x8d: {  	_ =	swait.ge [sflag:s9], $0x4000  }
0x8e: {  	[sflag:s9] =	ssyncset.done $0x0  }
0x8f: {  	[sflag:s9] =	ssyncadd.s32 $0xFFFFC000  }
0x90: {  	[hbm4b:s17+s4] =	stream.linear.scatter [tilespmem:s24], [sflag:$0x9], $0x4000, $0x38;
	[tilespmem:$0x15C00] =	vst v63  }
0x91: {  	_ =	swait.ge [sflag:s10], $0x4000  }
0x92: {  	[sflag:s10] =	ssyncset.done $0x0  }
0x93: {  	s19 =	sadd.s32 $0x580, s18;
	[sflag:s10] =	ssyncadd.s32 $0xFFFFC000  }
0x94: {  	[tilespmem:s30], [sflag:$0x2] =	stream.indirect.gather [hbm4b:s1+s28], $0x80, s19, s28, $0xb8;
	[tilespmem:$0x15C00] =	vst v63  }
0x95: {  	_ =	swait.ge [sflag:s11], $0x4000  }
0x96: {  	[sflag:s11] =	ssyncset.done $0x0  }
.Ltmp0:
0x97: {  	[sflag:s11] =	ssyncadd.s32 $0xFFFFC000;
	(pc) =	sbr.rel @p0 .LBB2_2-.Ltmp0, $4  }
0x98: {  	[hbm4b:s16+s4] =	stream.linear.scatter [tilespmem:s23], [sflag:$0xA], $0x4000, $0x38;
	[tilespmem:$0x15C00] =	vst v63  }
0x99: {  	s17 =	sadd.s32 $0x50000, s17;
	s16 =	sadd.s32 $0x50000, s16;
	_ =	swait.ge [sflag:s5], $0x4000  }
0x9a: {  	s7 =	sadd.s32 $0x280000, s7;
	s25 =	sadd.s32 $0x50000, s25;
	[sflag:s5] =	ssyncset.done $0x0  }
0x9b: {  	s26 =	sadd.s32 $0x50000, s26;
	s18 =	sadd.s32 $0x600, s18;
	[sflag:s5] =	ssyncadd.s32 $0xFFFFC000  }
0x9c: {  	[tilespmem:s0], [sflag:$0x3] =	stream.indirect.gather [hbm4b:s1+s28], $0x80, s18, s28, $0xb8;
	[tilespmem:$0x15C00] =	vst v63  }
0x9d: {  	_ =	swait.ge [sflag:s2], $0x4000  }
0x9e: {  	[sflag:s2] =	ssyncset.done $0x0  }
0x9f: {  	s7 =	rddreg [dreg:$0xb];
	[sflag:s2] =	ssyncadd.s32 $0xFFFFC000  }
0xa0: {  	[hbm4b:s7+s4] =	stream.linear.scatter [tilespmem:s29], [sflag:$0x6], $0x4000, $0x38;
	[tilespmem:$0x15C00] =	vst v63  }
0xa1: {  	_ =	swait.ge [sflag:s12], $0x4000  }
0xa2: {  	[sflag:s12] =	ssyncset.done $0x0  }
0xa3: {  	s17 =	simm.s32 $0x1800;
	[sflag:s12] =	ssyncadd.s32 $0xFFFFC000  }
0xa4: {  	[tilespmem:s24], [sflag:$0x4] =	stream.indirect.gather [hbm4b:s1+s28], $0x80, s17, s28, $0xb8;
	[tilespmem:$0x15C00] =	vst v63  }
0xa5: {  	_ =	swait.ge [sflag:s31], $0x4000  }
0xa6: {  	[sflag:s31] =	ssyncset.done $0x0  }
0xa7: {  	s15 =	rddreg [dreg:$0xc];
	[sflag:s31] =	ssyncadd.s32 $0xFFFFC000  }
0xa8: {  	[hbm4b:s15+s4] =	stream.linear.scatter [tilespmem:s30], [sflag:$0x7], $0x4000, $0x38;
	[tilespmem:$0x15C00] =	vst v63  }
0xa9: {  	_ =	swait.ge [sflag:s13], $0x4000  }
0xaa: {  	[sflag:s13] =	ssyncset.done $0x0  }
0xab: {  	s16 =	simm.s32 $0x1880;
	[sflag:s13] =	ssyncadd.s32 $0xFFFFC000  }
0xac: {  	[tilespmem:s23], [sflag:$0x5] =	stream.indirect.gather [hbm4b:s1+s28], $0x80, s16, s28, $0xb8;
	[tilespmem:$0x15C00] =	vst v63  }
0xad: {  	_ =	swait.ge [sflag:s6], $0x4000  }
0xae: {  	[sflag:s6] =	ssyncset.done $0x0  }
0xaf: {  	s18 =	rddreg [dreg:$0xd];
	[sflag:s6] =	ssyncadd.s32 $0xFFFFC000  }
0xb0: {  	[hbm4b:s18+s4] =	stream.linear.scatter [tilespmem:s0], [sflag:$0x8], $0x4000, $0x38;
	[tilespmem:$0x15C00] =	vst v63  }
0xb1: {  	_ =	swait.ge [sflag:s9], $0x4000  }
0xb2: {  	[sflag:s9] =	ssyncset.done $0x0  }
0xb3: {  	s19 =	rddreg [dreg:$0xe];
	[sflag:s9] =	ssyncadd.s32 $0xFFFFC000  }
0xb4: {  	[hbm4b:s19+s4] =	stream.linear.scatter [tilespmem:s24], [sflag:$0x9], $0x4000, $0x38;
	[tilespmem:$0x15C00] =	vst v63  }
0xb5: {  	_ =	swait.ge [sflag:s11], $0x4000  }
0xb6: {  	[sflag:s11] =	ssyncset.done $0x0  }
0xb7: {  	s25 =	rddreg [dreg:$0xf];
	[sflag:s11] =	ssyncadd.s32 $0xFFFFC000  }
0xb8: {  	[hbm4b:s25+s4] =	stream.linear.scatter [tilespmem:s23], [sflag:$0xA], $0x4000, $0x38;
	[tilespmem:$0x15C00] =	vst v63  }
0xb9: {  	_ =	swait.ge [sflag:s8], $0x4000  }
0xba: {  	[sflag:s8] =	ssyncset.done $0x0  }
0xbb: {  	[sflag:s8] =	ssyncadd.s32 $0xFFFFC000  }
0xbc: {  	_ =	swait.ge [sflag:s10], $0x4000  }
0xbd: {  	[sflag:s10] =	ssyncset.done $0x0  }
0xbe: {  	[sflag:s10] =	ssyncadd.s32 $0xFFFFC000  }
0xbf: {  	_ =	swait.ge [sflag:s5], $0x4000  }
0xc0: {  	[sflag:s5] =	ssyncset.done $0x0  }
0xc1: {  	[sflag:s5] =	ssyncadd.s32 $0xFFFFC000  }
0xc2: {  	_ =	swait.ge [sflag:s12], $0x4000  }
0xc3: {  	[sflag:s12] =	ssyncset.done $0x0  }
0xc4: {  	[sflag:s12] =	ssyncadd.s32 $0xFFFFC000  }
0xc5: {  	_ =	swait.ge [sflag:s13], $0x4000  }
0xc6: {  	s14 =	sadd.s32 $0x1, s14;
	s26 =	rddreg [dreg:$0x10]  }
0xc7: {  	p0 =	sne.s32 s14, s26  }
.Ltmp1:
0xc8: {  	_ = 	snop;
	(pc) =	sbr.rel @p0 .LBB2_1-.Ltmp1, $3  }
0xc9: {  	_ =	sdelay $0x1  }
0xca: {  	[sflag:s13] =	ssyncset.done $0x0  }
0xcb: {  	[sflag:s13] =	ssyncadd.s32 $0xFFFFC000  }
0xcc: {  	_ =	sfence.sel $0x180000  }
0xcd: {  	[bflag:$0x0] =	sbarrier.arrive $0xFFFF  }
0xce: {  	_ =	strace $0x90000047  }
0xcf: {  	s0 =	stileid.u32;
	[bflag:$0x2] =	sbarrier.arrive $0xFFFF  }
0xd0: {  	p0 =	sne.s32 s0, $0x0;
	s0 =	rddreg [dreg:$0x3]  }
0xd1: {  	s0 =	sadd.s32 @!p0 $0x100000, s0  }
0xd2: {  	[sflag:s0] =	ssyncadd.tile.s32 @!p0 $0x1;
	_ =	shalt  }
.Lfunc_end2:
_tile_overlayer_lowered:
.L_overlay_start_2:
0xd3: {  	(tag) =	ssettag $0x2  }
0xd4: {  	s0 =	rddreg [dreg:$0x0];
	s2 =	stileid.u32  }
0xd5: {  	s1 =	rddreg [dreg:$0x1];
	p0 =	sne.s32 s2, $0x0  }
0xd6: {  	s3 =	rddreg [dreg:$0x2];
	[bflag:$0x3] =	sbarrier.arrive $0xFFFF;
	s2 =	simm.s32 @!p0 $0x1C0B  }
0xd7: {  	[timem:s3], [sflag:s2] =	dma.local @!p0 [hbm:s0], s1  }
0xd8: {  	s0 =	simm.s32 @!p0 $0xB  }
0xd9: {  	_ =	swait.ge @!p0 [sflag:s0], s1  }
0xda: {  	s1 =	ssub.s32 @!p0 $0x0, s1;
	[sflag:s0] =	ssyncset.done @!p0 $0x0  }
0xdb: {  	[sflag:s0] =	ssyncadd.s32 @!p0 s1  }
0xdc: {  	[bflag:$0x3] =	sbarrier.arrive $0xFFFF  }
0xdd: {  	_ =	shalt  }

</sc_bundles>
